<compile_context>
chip_gen: v7x
topology: tpu7x:2x2x1
jax: 0.10.2.dev20260603
libtpu: 0.0.44.dev20260713+nightly
codegen_flags: <defaults>
</compile_context>

<pallas_src>
import functools

import jax
import jax.numpy as jnp
from jax import lax
from jax.experimental import pallas as pl
from jax.experimental.pallas import tpu as pltpu
from jax.experimental.pallas import tpu_sc as plsc

N = 10000
E = 320000
D = 128
R = 16
TPAD = 128
L = 3
NEG_SLOPE = 0.01

NC = 2
NS = 16
NW = NC * NS

BM = 1000


def _leaky(s):
    return jnp.where(s >= 0, s, NEG_SLOPE * s)


EB = 128


def _store_xw(x, wr_ref, xw_ref):
    y = jnp.dot(x, wr_ref[...], preferred_element_type=jnp.float32)
    for r in range(R):
        xw_ref[r] = y[:, r * D:(r + 1) * D]


def _mm0_body(nt_ref, emb_ref, src_ref, et_ref, wr_ref, wo_ref, b_ref,
              xw_ref, rt_ref, idx_ref):
    idx_ref[0] = et_ref[0] * N + src_ref[0]
    nt = nt_ref[0, 0, :]
    tids = lax.broadcasted_iota(jnp.int32, (BM, TPAD), 1)
    onehot = (tids == nt[:, None]).astype(jnp.float32)
    x = jnp.dot(onehot, emb_ref[...], preferred_element_type=jnp.float32)
    _store_xw(x, wr_ref, xw_ref)
    rt_ref[...] = (
        jnp.dot(x, wo_ref[...], preferred_element_type=jnp.float32) + b_ref[...]
    )


def _mm1_body(a0_ref, a1_ref, rtin_ref, wr_ref, wo_ref, b_ref, xw_ref, rt_ref):
    x = _leaky(a0_ref[...] + a1_ref[...] + rtin_ref[...])
    _store_xw(x, wr_ref, xw_ref)
    rt_ref[...] = (
        jnp.dot(x, wo_ref[...], preferred_element_type=jnp.float32) + b_ref[...]
    )


_row_spec = pl.BlockSpec((BM, D), lambda i: (i, 0))
_EBLK = E // (N // BM) // EB
_w_specs = [
    pl.BlockSpec((D, R * D), lambda i: (0, 0)),
    pl.BlockSpec((D, D), lambda i: (0, 0)),
    pl.BlockSpec((1, D), lambda i: (0, 0)),
]
_mm_out_shapes = [
    jax.ShapeDtypeStruct((R, N, D), jnp.float32),
    jax.ShapeDtypeStruct((N, D), jnp.float32),
]
_mm_out_specs = [
    pl.BlockSpec((R, BM, D), lambda i: (0, i, 0)),
    pl.BlockSpec((BM, D), lambda i: (i, 0)),
]

_mm0 = pl.pallas_call(
    _mm0_body,
    grid=(N // BM,),
    in_specs=[
        pl.BlockSpec((1, 1, BM), lambda i: (i, 0, 0)),
        pl.BlockSpec((TPAD, D), lambda i: (0, 0)),
        pl.BlockSpec((1, _EBLK, EB), lambda i: (i, 0, 0)),
        pl.BlockSpec((1, _EBLK, EB), lambda i: (i, 0, 0)),
    ] + _w_specs,
    out_specs=_mm_out_specs + [pl.BlockSpec((1, _EBLK, EB), lambda i: (i, 0, 0))],
    out_shape=_mm_out_shapes
    + [jax.ShapeDtypeStruct((N // BM, _EBLK, EB), jnp.int32)],
)

_mm1 = pl.pallas_call(
    _mm1_body,
    grid=(N // BM,),
    in_specs=[_row_spec, _row_spec, _row_spec] + _w_specs,
    out_specs=_mm_out_specs,
    out_shape=_mm_out_shapes,
)


def _fin_body(a0_ref, a1_ref, rt_ref, o_ref):
    o_ref[...] = _leaky(a0_ref[...] + a1_ref[...] + rt_ref[...])


_fin_spec = pl.BlockSpec((BM, D), lambda i: (i, 0))
_fin = pl.pallas_call(
    _fin_body,
    grid=(N // BM,),
    in_specs=[_fin_spec, _fin_spec, _fin_spec],
    out_specs=_fin_spec,
    out_shape=jax.ShapeDtypeStruct((N, D), jnp.float32),
)

CK = 80
EPW = E // NW
CPT = EPW // CK
RPT = 632


def _edge_body(table_hbm, idx_hbm, dst_hbm, zeros_hbm, out0_hbm, out1_hbm,
               idxv, dstv, rows0, rows1, acc_sh, sem0, sem1):
    cid = lax.axis_index("c")
    sid = lax.axis_index("s")
    wid = sid * NC + cid
    ebase = pl.multiple_of(wid * EPW, 8)
    pltpu.sync_copy(idx_hbm.at[pl.ds(ebase, EPW)], idxv)
    pltpu.sync_copy(dst_hbm.at[wid], dstv)
    rbase = pl.multiple_of(jnp.minimum(sid * RPT, N - RPT), 8)
    pltpu.sync_copy(
        zeros_hbm.at[pl.ds(rbase, RPT)], acc_sh.at[pl.ds(rbase, RPT)]
    )

    rows = (rows0, rows1)
    sems = (sem0, sem1)

    def _gather(c, b):
        gsl = pl.ds(pl.multiple_of(c * CK, 8), CK)
        return pltpu.async_copy(table_hbm.at[idxv.at[gsl]], rows[b], sems[b])

    def _wait(c, b):
        gsl = pl.ds(pl.multiple_of(c * CK, 8), CK)
        pltpu.make_async_copy(
            table_hbm.at[idxv.at[gsl]], rows[b], sems[b]
        ).wait()

    plsc.subcore_barrier()

    _gather(0, 0)
    _gather(1, 1)

    def _pair(p, carry):
        for bb in range(2):
            c = 2 * p + bb
            _wait(c, bb)
            pltpu.sync_copy(rows[bb], acc_sh.at[dstv.at[c]], add=True)

            @pl.when(c + 2 < CPT)
            def _():
                _gather(c + 2, bb)

        return carry

    lax.fori_loop(0, CPT // 2, _pair, 0)
    ct = CPT - 1
    _wait(ct, 0)
    pltpu.sync_copy(rows[0], acc_sh.at[dstv.at[ct]], add=True)

    plsc.subcore_barrier()

    @pl.when(cid == 0)
    def _():
        pltpu.sync_copy(
            acc_sh.at[pl.ds(rbase, RPT)], out0_hbm.at[pl.ds(rbase, RPT)]
        )

    @pl.when(cid == 1)
    def _():
        pltpu.sync_copy(
            acc_sh.at[pl.ds(rbase, RPT)], out1_hbm.at[pl.ds(rbase, RPT)]
        )


_edge_agg = functools.partial(
    pl.kernel,
    out_type=[
        jax.ShapeDtypeStruct((N, D), jnp.float32),
        jax.ShapeDtypeStruct((N, D), jnp.float32),
    ],
    mesh=plsc.VectorSubcoreMesh(core_axis_name="c", subcore_axis_name="s"),
    scratch_types=[
        pltpu.VMEM((EPW,), jnp.int32),
        pltpu.VMEM((CPT, CK), jnp.int32),
        pltpu.VMEM((CK, D), jnp.float32),
        pltpu.VMEM((CK, D), jnp.float32),
        pltpu.VMEM_SHARED((N, D), jnp.float32),
        pltpu.SemaphoreType.DMA,
        pltpu.SemaphoreType.DMA,
    ],
)(_edge_body)


def kernel(node_type, edge_index, edge_type, node_emb, W_rel, W_root, b):
    nt = node_type.astype(jnp.int32).reshape(N // BM, 1, BM)
    src = edge_index[0].astype(jnp.int32).reshape(N // BM, _EBLK, EB)
    dst = edge_index[1].astype(jnp.int32).reshape(NW, CPT, CK)
    et = edge_type.astype(jnp.int32).reshape(N // BM, _EBLK, EB)
    emb = jnp.zeros((TPAD, D), jnp.float32).at[:node_emb.shape[0]].set(node_emb)
    zeros = jnp.zeros((N, D), jnp.float32)

    wr_all = W_rel.transpose(0, 2, 1, 3).reshape(L, D, R * D)

    rt = None
    aggs = None
    flat_idx = None
    for l in range(L):
        wr = wr_all[l]
        wo = W_root[l]
        bl = b[l].reshape(1, D)
        if l == 0:
            xw, rt, idx2 = _mm0(nt, emb, src, et, wr, wo, bl)
            flat_idx = idx2.reshape(E)
        else:
            xw, rt = _mm1(aggs[0], aggs[1], rt, wr, wo, bl)
        aggs = _edge_agg(xw.reshape(R * N, D), flat_idx, dst, zeros)

    return _fin(aggs[0], aggs[1], rt)

# --- scband reference (transcript-rebuilt; emitter-appended) ---
"""Pipeline reference for scband-rgcn-52218212385105 (READ-ONLY COPY).

The authoritative reference and input builder live on the scoring server;
editing this copy changes nothing except your own understanding.
"""

import jax, jax.numpy as jnp
import numpy as np

N = 10000      # nodes
E = 320000     # edges
D = 128        # emb_dim
R = 16         # num_edge_types
T = 100        # num_node_types
L = 3          # num_layers
NEG_SLOPE = 0.01


def setup_inputs(seed: int = 0) -> dict:
    key = jax.random.key(seed)
    ks = jax.random.split(key, 8)
    node_type = jax.random.randint(ks[0], (N,), 0, T)
    edge_index = jax.random.randint(ks[1], (2, E), 0, N)
    edge_type = jax.random.randint(ks[2], (E,), 0, R)
    node_emb = jax.random.normal(ks[3], (T, D), dtype=jnp.float32)
    W_rel = jax.random.normal(ks[4], (L, R, D, D), dtype=jnp.float32) * (1.0 / np.sqrt(D))
    W_root = jax.random.normal(ks[5], (L, D, D), dtype=jnp.float32) * (1.0 / np.sqrt(D))
    b = jnp.zeros((L, D), dtype=jnp.float32)
    return {
        "node_type": node_type,
        "edge_index": edge_index,
        "edge_type": edge_type,
        "node_emb": node_emb,
        "W_rel": W_rel,
        "W_root": W_root,
        "b": b,
    }


def reference(node_type, edge_index, edge_type, node_emb, W_rel, W_root, b):
    # x = self.node2emb(g.node_type)
    x = jnp.take(node_emb, node_type, axis=0)
    src = edge_index[0]
    dst = edge_index[1]
    for l in range(L):
        # RGCNConv(emb_dim, emb_dim, num_relations=R, aggr='add'):
        # out[i] = x[i] @ W_root + b + sum_{e: dst(e)=i} x[src(e)] @ W_rel[edge_type(e)]
        # Compute x @ W_r for every relation r, then gather per edge.
        xW = jnp.einsum('nd,rdf->rnf', x, W_rel[l])        # [R, N, D]
        msg = xW[edge_type, src]                            # [E, D] gather
        agg = jnp.zeros((N, D), dtype=x.dtype).at[dst].add(msg)  # scatter-add
        x = agg + x @ W_root[l] + b[l]
        # leaky_relu
        x = jnp.where(x >= 0, x, NEG_SLOPE * x)
    return x

if __name__ == "__main__":
    import jax
    _d = setup_inputs()
    print(jax.jit(kernel)(*tuple(_d.values())))

</pallas_src>

<mosaic_0001>
#map = affine_map<(d0, d1) -> (0, 0)>
#map1 = affine_map<(d0, d1) -> (0)>
#map2 = affine_map<(d0, d1) -> (0, 0, 0)>
module attributes {stable_mosaic.version = 14 : i64} {
  func.func @_edge_body(%arg0: i32, %arg1: i32, %arg2: memref<160000x128xf32, #tpu.memory_space<hbm>>, %arg3: memref<320000xi32, #tpu.memory_space<hbm>>, %arg4: memref<32x125x80xi32, #tpu.memory_space<hbm>>, %arg5: memref<10000x128xf32, #tpu.memory_space<hbm>>, %arg6: memref<10000x128xf32, #tpu.memory_space<hbm>>, %arg7: memref<10000x128xf32, #tpu.memory_space<hbm>>, %arg8: memref<10000xi32, #tpu.memory_space<vmem>>, %arg9: memref<125x80xi32, #tpu.memory_space<vmem>>, %arg10: memref<80x128xf32, #tpu.memory_space<vmem>>, %arg11: memref<80x128xf32, #tpu.memory_space<vmem>>, %arg12: memref<10000x128xf32, #tpu.memory_space<vmem_shared>>, %arg13: memref<!tpu.dma_semaphore, #tpu.memory_space<semaphore_mem>>, %arg14: memref<!tpu.dma_semaphore, #tpu.memory_space<semaphore_mem>>) attributes {dimension_semantics = [#tpu.dimension_semantics<core_parallel>, #tpu.dimension_semantics<subcore_parallel>], iteration_bounds = array<i64: 2, 16>, scalar_prefetch = 0 : i64, scratch_operands = 7 : i64, tpu.core_type = #tpu.core_type<sc_vector_subcore>, window_params = [{transform_indices = #map}, {transform_indices = #map1}, {transform_indices = #map2}, {transform_indices = #map}, {transform_indices = #map}, {transform_indices = #map}]} {
    %mul3A = arith.constant 2 : i32
    %mul3A_0 = arith.muli %arg1, %mul3A : i32
    %add3A = arith.addi %mul3A_0, %arg0 : i32
    %mul3A_1 = arith.constant 10000 : i32
    %mul3A_2 = arith.muli %add3A, %mul3A_1 : i32
    %multiple_of3A = tpu.assume_multiple %mul3A_2, 8 : i32
    "tpu.region"() ({
      %run_scoped3A_36 = tpu.sem_alloc : memref<!tpu.dma_semaphore, #tpu.memory_space<semaphore_mem>>
      %dma_start3A_37 = tpu.memref_slice %arg3[%multiple_of3A] : memref<320000xi32, #tpu.memory_space<hbm>> -> memref<10000xi32, #tpu.memory_space<hbm>>
      %dma_start3A_38 = tpu.memref_slice %arg3[%multiple_of3A] : memref<320000xi32, #tpu.memory_space<hbm>> -> memref<10000xi32, #tpu.memory_space<hbm>>
      tpu.enqueue_dma source(%dma_start3A_38 : memref<10000xi32, #tpu.memory_space<hbm>>) target(%arg8 : memref<10000xi32, #tpu.memory_space<vmem>>) target_semaphore(%run_scoped3A_36 : memref<!tpu.dma_semaphore, #tpu.memory_space<semaphore_mem>>)
      %dma_wait3A_39 = tpu.memref_slice %arg3[%multiple_of3A] : memref<320000xi32, #tpu.memory_space<hbm>> -> memref<10000xi32, #tpu.memory_space<hbm>>
      %dma_wait3A_40 = tpu.memref_slice %arg3[%multiple_of3A] : memref<320000xi32, #tpu.memory_space<hbm>> -> memref<10000xi32, #tpu.memory_space<hbm>>
      tpu.wait_dma2 semaphore(%run_scoped3A_36 : memref<!tpu.dma_semaphore, #tpu.memory_space<semaphore_mem>>) src(%dma_wait3A_40 : memref<10000xi32, #tpu.memory_space<hbm>>) dst(%arg8 : memref<10000xi32, #tpu.memory_space<vmem>>)
      tpu.yield
    }) : () -> ()
    "tpu.region"() ({
      %run_scoped3A_36 = tpu.sem_alloc : memref<!tpu.dma_semaphore, #tpu.memory_space<semaphore_mem>>
      %dma_start3A_37 = arith.constant 0 : i32
      %dma_start3A_38 = arith.constant 0 : i32
      %dma_start3A_39 = tpu.memref_slice %arg4[%add3A, %dma_start3A_37, %dma_start3A_38] : memref<32x125x80xi32, #tpu.memory_space<hbm>> -> memref<1x125x80xi32, #tpu.memory_space<hbm>>
      %dma_start3A_40 = tpu.memref_squeeze %dma_start3A_39 : memref<1x125x80xi32, #tpu.memory_space<hbm>> -> memref<125x80xi32, #tpu.memory_space<hbm>>
      %dma_start3A_41 = arith.constant 0 : i32
      %dma_start3A_42 = arith.constant 0 : i32
      %dma_start3A_43 = tpu.memref_slice %arg4[%add3A, %dma_start3A_41, %dma_start3A_42] : memref<32x125x80xi32, #tpu.memory_space<hbm>> -> memref<1x125x80xi32, #tpu.memory_space<hbm>>
      %dma_start3A_44 = tpu.memref_squeeze %dma_start3A_43 : memref<1x125x80xi32, #tpu.memory_space<hbm>> -> memref<125x80xi32, #tpu.memory_space<hbm>>
      tpu.enqueue_dma source(%dma_start3A_44 : memref<125x80xi32, #tpu.memory_space<hbm>>) target(%arg9 : memref<125x80xi32, #tpu.memory_space<vmem>>) target_semaphore(%run_scoped3A_36 : memref<!tpu.dma_semaphore, #tpu.memory_space<semaphore_mem>>)
      %dma_wait3A_45 = arith.constant 0 : i32
      %dma_wait3A_46 = arith.constant 0 : i32
      %dma_wait3A_47 = tpu.memref_slice %arg4[%add3A, %dma_wait3A_45, %dma_wait3A_46] : memref<32x125x80xi32, #tpu.memory_space<hbm>> -> memref<1x125x80xi32, #tpu.memory_space<hbm>>
      %dma_wait3A_48 = tpu.memref_squeeze %dma_wait3A_47 : memref<1x125x80xi32, #tpu.memory_space<hbm>> -> memref<125x80xi32, #tpu.memory_space<hbm>>
      %dma_wait3A_49 = arith.constant 0 : i32
      %dma_wait3A_50 = arith.constant 0 : i32
      %dma_wait3A_51 = tpu.memref_slice %arg4[%add3A, %dma_wait3A_49, %dma_wait3A_50] : memref<32x125x80xi32, #tpu.memory_space<hbm>> -> memref<1x125x80xi32, #tpu.memory_space<hbm>>
      %dma_wait3A_52 = tpu.memref_squeeze %dma_wait3A_51 : memref<1x125x80xi32, #tpu.memory_space<hbm>> -> memref<125x80xi32, #tpu.memory_space<hbm>>
      tpu.wait_dma2 semaphore(%run_scoped3A_36 : memref<!tpu.dma_semaphore, #tpu.memory_space<semaphore_mem>>) src(%dma_wait3A_52 : memref<125x80xi32, #tpu.memory_space<hbm>>) dst(%arg9 : memref<125x80xi32, #tpu.memory_space<vmem>>)
      tpu.yield
    }) : () -> ()
    %mul3A_3 = arith.constant 632 : i32
    %mul3A_4 = arith.muli %arg1, %mul3A_3 : i32
    %min3A = arith.constant 9368 : i32
    %min3A_5 = arith.minsi %mul3A_4, %min3A : i32
    %multiple_of3A_6 = tpu.assume_multiple %min3A_5, 8 : i32
    "tpu.region"() ({
      %run_scoped3A_36 = tpu.sem_alloc : memref<!tpu.dma_semaphore, #tpu.memory_space<semaphore_mem>>
      %dma_start3A_37 = arith.constant 0 : i32
      %dma_start3A_38 = tpu.memref_slice %arg12[%multiple_of3A_6, %dma_start3A_37] : memref<10000x128xf32, #tpu.memory_space<vmem_shared>> -> memref<632x128xf32, #tpu.memory_space<vmem_shared>>
      %dma_start3A_39 = arith.constant 0 : i32
      %dma_start3A_40 = tpu.memref_slice %arg5[%multiple_of3A_6, %dma_start3A_39] : memref<10000x128xf32, #tpu.memory_space<hbm>> -> memref<632x128xf32, #tpu.memory_space<hbm>>
      tpu.enqueue_dma source(%dma_start3A_40 : memref<632x128xf32, #tpu.memory_space<hbm>>) target(%dma_start3A_38 : memref<632x128xf32, #tpu.memory_space<vmem_shared>>) target_semaphore(%run_scoped3A_36 : memref<!tpu.dma_semaphore, #tpu.memory_space<semaphore_mem>>)
      %dma_wait3A_41 = arith.constant 0 : i32
      %dma_wait3A_42 = tpu.memref_slice %arg12[%multiple_of3A_6, %dma_wait3A_41] : memref<10000x128xf32, #tpu.memory_space<vmem_shared>> -> memref<632x128xf32, #tpu.memory_space<vmem_shared>>
      %dma_wait3A_43 = arith.constant 0 : i32
      %dma_wait3A_44 = tpu.memref_slice %arg5[%multiple_of3A_6, %dma_wait3A_43] : memref<10000x128xf32, #tpu.memory_space<hbm>> -> memref<632x128xf32, #tpu.memory_space<hbm>>
      tpu.wait_dma2 semaphore(%run_scoped3A_36 : memref<!tpu.dma_semaphore, #tpu.memory_space<semaphore_mem>>) src(%dma_wait3A_44 : memref<632x128xf32, #tpu.memory_space<hbm>>) dst(%dma_wait3A_42 : memref<632x128xf32, #tpu.memory_space<vmem_shared>>)
      tpu.yield
    }) : () -> ()
    %barrier3A = arith.constant 0 : index
    tpu.barrier barrier_id(%barrier3A)
    %multiple_of3A_7 = arith.constant 0 : i32
    %multiple_of3A_8 = tpu.assume_multiple %multiple_of3A_7, 8 : i32
    %dma_start3A = tpu.memref_slice %arg8[%multiple_of3A_8] : memref<10000xi32, #tpu.memory_space<vmem>> -> memref<80xi32, #tpu.memory_space<vmem>>
    %dma_start3A_9 = arith.constant 0 : i32
    %dma_start3A_10 = arith.constant 0 : i32
    %dma_start3A_11 = tpu.memref_slice %arg2[%dma_start3A_9, %dma_start3A_10] : memref<160000x128xf32, #tpu.memory_space<hbm>> -> memref<160000x128xf32, #tpu.memory_space<hbm>>
    tpu.enqueue_indirect_dma source(%dma_start3A_11 : memref<160000x128xf32, #tpu.memory_space<hbm>>) target(%arg10 : memref<80x128xf32, #tpu.memory_space<vmem>>) offsets(%dma_start3A : memref<80xi32, #tpu.memory_space<vmem>>) semaphore(%arg13 : memref<!tpu.dma_semaphore, #tpu.memory_space<semaphore_mem>>)
    %multiple_of3A_12 = arith.constant 80 : i32
    %multiple_of3A_13 = tpu.assume_multiple %multiple_of3A_12, 8 : i32
    %dma_start3A_14 = tpu.memref_slice %arg8[%multiple_of3A_13] : memref<10000xi32, #tpu.memory_space<vmem>> -> memref<80xi32, #tpu.memory_space<vmem>>
    %dma_start3A_15 = arith.constant 0 : i32
    %dma_start3A_16 = arith.constant 0 : i32
    %dma_start3A_17 = tpu.memref_slice %arg2[%dma_start3A_15, %dma_start3A_16] : memref<160000x128xf32, #tpu.memory_space<hbm>> -> memref<160000x128xf32, #tpu.memory_space<hbm>>
    tpu.enqueue_indirect_dma source(%dma_start3A_17 : memref<160000x128xf32, #tpu.memory_space<hbm>>) target(%arg11 : memref<80x128xf32, #tpu.memory_space<vmem>>) offsets(%dma_start3A_14 : memref<80xi32, #tpu.memory_space<vmem>>) semaphore(%arg14 : memref<!tpu.dma_semaphore, #tpu.memory_space<semaphore_mem>>)
    %scan3A = arith.constant 0 : i32
    %scan3A_18 = arith.constant 0 : i32
    %scan3A_19 = arith.constant 62 : i32
    %scan3A_20 = arith.addi %scan3A_18, %scan3A_19 : i32
    %scan3A_21 = arith.constant 1 : i32
    scf.for %scan3A_36 = %scan3A_18 to %scan3A_20 step %scan3A_21  : i32 {
      %mul3A_37 = arith.constant 2 : i32
      %mul3A_38 = arith.muli %mul3A_37, %scan3A_36 : i32
      %add3A_39 = arith.constant 0 : i32
      %add3A_40 = arith.addi %mul3A_38, %add3A_39 : i32
      %mul3A_41 = arith.constant 80 : i32
      %mul3A_42 = arith.muli %add3A_40, %mul3A_41 : i32
      %multiple_of3A_43 = tpu.assume_multiple %mul3A_42, 8 : i32
      %dma_wait3A_44 = tpu.memref_slice %arg8[%multiple_of3A_43] : memref<10000xi32, #tpu.memory_space<vmem>> -> memref<80xi32, #tpu.memory_space<vmem>>
      %dma_wait3A_45 = arith.constant 0 : i32
      %dma_wait3A_46 = arith.constant 0 : i32
      %dma_wait3A_47 = tpu.memref_slice %arg2[%dma_wait3A_45, %dma_wait3A_46] : memref<160000x128xf32, #tpu.memory_space<hbm>> -> memref<160000x128xf32, #tpu.memory_space<hbm>>
      tpu.wait_indirect_dma semaphore(%arg13 : memref<!tpu.dma_semaphore, #tpu.memory_space<semaphore_mem>>) src(%dma_wait3A_47 : memref<160000x128xf32, #tpu.memory_space<hbm>>) dst(%arg10 : memref<80x128xf32, #tpu.memory_space<vmem>>)
      "tpu.region"() ({
        %run_scoped3A_72 = tpu.sem_alloc : memref<!tpu.dma_semaphore, #tpu.memory_space<semaphore_mem>>
        %dma_start3A_73 = arith.constant 0 : i32
        %dma_start3A_74 = tpu.memref_slice %arg9[%add3A_40, %dma_start3A_73] : memref<125x80xi32, #tpu.memory_space<vmem>> -> memref<1x80xi32, #tpu.memory_space<vmem>>
        %dma_start3A_75 = tpu.memref_squeeze %dma_start3A_74 : memref<1x80xi32, #tpu.memory_space<vmem>> -> memref<80xi32, #tpu.memory_space<vmem>>
        %dma_start3A_76 = arith.constant 0 : i32
        %dma_start3A_77 = arith.constant 0 : i32
        %dma_start3A_78 = tpu.memref_slice %arg12[%dma_start3A_76, %dma_start3A_77] : memref<10000x128xf32, #tpu.memory_space<vmem_shared>> -> memref<10000x128xf32, #tpu.memory_space<vmem_shared>>
        tpu.enqueue_indirect_dma source(%arg10 : memref<80x128xf32, #tpu.memory_space<vmem>>) target(%dma_start3A_78 : memref<10000x128xf32, #tpu.memory_space<vmem_shared>>) offsets(%dma_start3A_75 : memref<80xi32, #tpu.memory_space<vmem>>) semaphore(%run_scoped3A_72 : memref<!tpu.dma_semaphore, #tpu.memory_space<semaphore_mem>>) {add = true}
        %dma_wait3A_79 = arith.constant 0 : i32
        %dma_wait3A_80 = tpu.memref_slice %arg9[%add3A_40, %dma_wait3A_79] : memref<125x80xi32, #tpu.memory_space<vmem>> -> memref<1x80xi32, #tpu.memory_space<vmem>>
        %dma_wait3A_81 = tpu.memref_squeeze %dma_wait3A_80 : memref<1x80xi32, #tpu.memory_space<vmem>> -> memref<80xi32, #tpu.memory_space<vmem>>
        %dma_wait3A_82 = arith.constant 0 : i32
        %dma_wait3A_83 = arith.constant 0 : i32
        %dma_wait3A_84 = tpu.memref_slice %arg12[%dma_wait3A_82, %dma_wait3A_83] : memref<10000x128xf32, #tpu.memory_space<vmem_shared>> -> memref<10000x128xf32, #tpu.memory_space<vmem_shared>>
        tpu.wait_indirect_dma semaphore(%run_scoped3A_72 : memref<!tpu.dma_semaphore, #tpu.memory_space<semaphore_mem>>) src(%arg10 : memref<80x128xf32, #tpu.memory_space<vmem>>) dst(%dma_wait3A_84 : memref<10000x128xf32, #tpu.memory_space<vmem_shared>>)
        tpu.yield
      }) : () -> ()
      %add3A_48 = arith.constant 2 : i32
      %add3A_49 = arith.addi %add3A_40, %add3A_48 : i32
      %lt3A = arith.constant 125 : i32
      %lt3A_50 = arith.cmpi slt, %add3A_49, %lt3A : i32
      %convert_element_type3A_51 = arith.extui %lt3A_50 : i1 to i32
      %cond3A_52 = arith.constant 0 : i32
      %cond3A_53 = arith.cmpi ne, %convert_element_type3A_51, %cond3A_52 : i32
      scf.if %cond3A_53 {
        %add3A_72 = arith.constant 2 : i32
        %add3A_73 = arith.addi %add3A_40, %add3A_72 : i32
        %mul3A_74 = arith.constant 80 : i32
        %mul3A_75 = arith.muli %add3A_73, %mul3A_74 : i32
        %multiple_of3A_76 = tpu.assume_multiple %mul3A_75, 8 : i32
        %dma_start3A_77 = tpu.memref_slice %arg8[%multiple_of3A_76] : memref<10000xi32, #tpu.memory_space<vmem>> -> memref<80xi32, #tpu.memory_space<vmem>>
        %dma_start3A_78 = arith.constant 0 : i32
        %dma_start3A_79 = arith.constant 0 : i32
        %dma_start3A_80 = tpu.memref_slice %arg2[%dma_start3A_78, %dma_start3A_79] : memref<160000x128xf32, #tpu.memory_space<hbm>> -> memref<160000x128xf32, #tpu.memory_space<hbm>>
        tpu.enqueue_indirect_dma source(%dma_start3A_80 : memref<160000x128xf32, #tpu.memory_space<hbm>>) target(%arg10 : memref<80x128xf32, #tpu.memory_space<vmem>>) offsets(%dma_start3A_77 : memref<80xi32, #tpu.memory_space<vmem>>) semaphore(%arg13 : memref<!tpu.dma_semaphore, #tpu.memory_space<semaphore_mem>>)
      } else {
      }
      %mul3A_54 = arith.constant 2 : i32
      %mul3A_55 = arith.muli %mul3A_54, %scan3A_36 : i32
      %add3A_56 = arith.constant 1 : i32
      %add3A_57 = arith.addi %mul3A_55, %add3A_56 : i32
      %mul3A_58 = arith.constant 80 : i32
      %mul3A_59 = arith.muli %add3A_57, %mul3A_58 : i32
      %multiple_of3A_60 = tpu.assume_multiple %mul3A_59, 8 : i32
      %dma_wait3A_61 = tpu.memref_slice %arg8[%multiple_of3A_60] : memref<10000xi32, #tpu.memory_space<vmem>> -> memref<80xi32, #tpu.memory_space<vmem>>
      %dma_wait3A_62 = arith.constant 0 : i32
      %dma_wait3A_63 = arith.constant 0 : i32
      %dma_wait3A_64 = tpu.memref_slice %arg2[%dma_wait3A_62, %dma_wait3A_63] : memref<160000x128xf32, #tpu.memory_space<hbm>> -> memref<160000x128xf32, #tpu.memory_space<hbm>>
      tpu.wait_indirect_dma semaphore(%arg14 : memref<!tpu.dma_semaphore, #tpu.memory_space<semaphore_mem>>) src(%dma_wait3A_64 : memref<160000x128xf32, #tpu.memory_space<hbm>>) dst(%arg11 : memref<80x128xf32, #tpu.memory_space<vmem>>)
      "tpu.region"() ({
        %run_scoped3A_72 = tpu.sem_alloc : memref<!tpu.dma_semaphore, #tpu.memory_space<semaphore_mem>>
        %dma_start3A_73 = arith.constant 0 : i32
        %dma_start3A_74 = tpu.memref_slice %arg9[%add3A_57, %dma_start3A_73] : memref<125x80xi32, #tpu.memory_space<vmem>> -> memref<1x80xi32, #tpu.memory_space<vmem>>
        %dma_start3A_75 = tpu.memref_squeeze %dma_start3A_74 : memref<1x80xi32, #tpu.memory_space<vmem>> -> memref<80xi32, #tpu.memory_space<vmem>>
        %dma_start3A_76 = arith.constant 0 : i32
        %dma_start3A_77 = arith.constant 0 : i32
        %dma_start3A_78 = tpu.memref_slice %arg12[%dma_start3A_76, %dma_start3A_77] : memref<10000x128xf32, #tpu.memory_space<vmem_shared>> -> memref<10000x128xf32, #tpu.memory_space<vmem_shared>>
        tpu.enqueue_indirect_dma source(%arg11 : memref<80x128xf32, #tpu.memory_space<vmem>>) target(%dma_start3A_78 : memref<10000x128xf32, #tpu.memory_space<vmem_shared>>) offsets(%dma_start3A_75 : memref<80xi32, #tpu.memory_space<vmem>>) semaphore(%run_scoped3A_72 : memref<!tpu.dma_semaphore, #tpu.memory_space<semaphore_mem>>) {add = true}
        %dma_wait3A_79 = arith.constant 0 : i32
        %dma_wait3A_80 = tpu.memref_slice %arg9[%add3A_57, %dma_wait3A_79] : memref<125x80xi32, #tpu.memory_space<vmem>> -> memref<1x80xi32, #tpu.memory_space<vmem>>
        %dma_wait3A_81 = tpu.memref_squeeze %dma_wait3A_80 : memref<1x80xi32, #tpu.memory_space<vmem>> -> memref<80xi32, #tpu.memory_space<vmem>>
        %dma_wait3A_82 = arith.constant 0 : i32
        %dma_wait3A_83 = arith.constant 0 : i32
        %dma_wait3A_84 = tpu.memref_slice %arg12[%dma_wait3A_82, %dma_wait3A_83] : memref<10000x128xf32, #tpu.memory_space<vmem_shared>> -> memref<10000x128xf32, #tpu.memory_space<vmem_shared>>
        tpu.wait_indirect_dma semaphore(%run_scoped3A_72 : memref<!tpu.dma_semaphore, #tpu.memory_space<semaphore_mem>>) src(%arg11 : memref<80x128xf32, #tpu.memory_space<vmem>>) dst(%dma_wait3A_84 : memref<10000x128xf32, #tpu.memory_space<vmem_shared>>)
        tpu.yield
      }) : () -> ()
      %add3A_65 = arith.constant 2 : i32
      %add3A_66 = arith.addi %add3A_57, %add3A_65 : i32
      %lt3A_67 = arith.constant 125 : i32
      %lt3A_68 = arith.cmpi slt, %add3A_66, %lt3A_67 : i32
      %convert_element_type3A_69 = arith.extui %lt3A_68 : i1 to i32
      %cond3A_70 = arith.constant 0 : i32
      %cond3A_71 = arith.cmpi ne, %convert_element_type3A_69, %cond3A_70 : i32
      scf.if %cond3A_71 {
        %add3A_72 = arith.constant 2 : i32
        %add3A_73 = arith.addi %add3A_57, %add3A_72 : i32
        %mul3A_74 = arith.constant 80 : i32
        %mul3A_75 = arith.muli %add3A_73, %mul3A_74 : i32
        %multiple_of3A_76 = tpu.assume_multiple %mul3A_75, 8 : i32
        %dma_start3A_77 = tpu.memref_slice %arg8[%multiple_of3A_76] : memref<10000xi32, #tpu.memory_space<vmem>> -> memref<80xi32, #tpu.memory_space<vmem>>
        %dma_start3A_78 = arith.constant 0 : i32
        %dma_start3A_79 = arith.constant 0 : i32
        %dma_start3A_80 = tpu.memref_slice %arg2[%dma_start3A_78, %dma_start3A_79] : memref<160000x128xf32, #tpu.memory_space<hbm>> -> memref<160000x128xf32, #tpu.memory_space<hbm>>
        tpu.enqueue_indirect_dma source(%dma_start3A_80 : memref<160000x128xf32, #tpu.memory_space<hbm>>) target(%arg11 : memref<80x128xf32, #tpu.memory_space<vmem>>) offsets(%dma_start3A_77 : memref<80xi32, #tpu.memory_space<vmem>>) semaphore(%arg14 : memref<!tpu.dma_semaphore, #tpu.memory_space<semaphore_mem>>)
      } else {
      }
    }
    %scan3A_22 = arith.constant 62 : i32
    %multiple_of3A_23 = arith.constant 9920 : i32
    %multiple_of3A_24 = tpu.assume_multiple %multiple_of3A_23, 8 : i32
    %dma_wait3A = tpu.memref_slice %arg8[%multiple_of3A_24] : memref<10000xi32, #tpu.memory_space<vmem>> -> memref<80xi32, #tpu.memory_space<vmem>>
    %dma_wait3A_25 = arith.constant 0 : i32
    %dma_wait3A_26 = arith.constant 0 : i32
    %dma_wait3A_27 = tpu.memref_slice %arg2[%dma_wait3A_25, %dma_wait3A_26] : memref<160000x128xf32, #tpu.memory_space<hbm>> -> memref<160000x128xf32, #tpu.memory_space<hbm>>
    tpu.wait_indirect_dma semaphore(%arg13 : memref<!tpu.dma_semaphore, #tpu.memory_space<semaphore_mem>>) src(%dma_wait3A_27 : memref<160000x128xf32, #tpu.memory_space<hbm>>) dst(%arg10 : memref<80x128xf32, #tpu.memory_space<vmem>>)
    %run_scoped3A = arith.constant 124 : i32
    "tpu.region"() ({
      %run_scoped3A_36 = tpu.sem_alloc : memref<!tpu.dma_semaphore, #tpu.memory_space<semaphore_mem>>
      %dma_start3A_37 = arith.constant 0 : i32
      %dma_start3A_38 = tpu.memref_slice %arg9[%run_scoped3A, %dma_start3A_37] : memref<125x80xi32, #tpu.memory_space<vmem>> -> memref<1x80xi32, #tpu.memory_space<vmem>>
      %dma_start3A_39 = tpu.memref_squeeze %dma_start3A_38 : memref<1x80xi32, #tpu.memory_space<vmem>> -> memref<80xi32, #tpu.memory_space<vmem>>
      %dma_start3A_40 = arith.constant 0 : i32
      %dma_start3A_41 = arith.constant 0 : i32
      %dma_start3A_42 = tpu.memref_slice %arg12[%dma_start3A_40, %dma_start3A_41] : memref<10000x128xf32, #tpu.memory_space<vmem_shared>> -> memref<10000x128xf32, #tpu.memory_space<vmem_shared>>
      tpu.enqueue_indirect_dma source(%arg10 : memref<80x128xf32, #tpu.memory_space<vmem>>) target(%dma_start3A_42 : memref<10000x128xf32, #tpu.memory_space<vmem_shared>>) offsets(%dma_start3A_39 : memref<80xi32, #tpu.memory_space<vmem>>) semaphore(%run_scoped3A_36 : memref<!tpu.dma_semaphore, #tpu.memory_space<semaphore_mem>>) {add = true}
      %dma_wait3A_43 = arith.constant 0 : i32
      %dma_wait3A_44 = tpu.memref_slice %arg9[%run_scoped3A, %dma_wait3A_43] : memref<125x80xi32, #tpu.memory_space<vmem>> -> memref<1x80xi32, #tpu.memory_space<vmem>>
      %dma_wait3A_45 = tpu.memref_squeeze %dma_wait3A_44 : memref<1x80xi32, #tpu.memory_space<vmem>> -> memref<80xi32, #tpu.memory_space<vmem>>
      %dma_wait3A_46 = arith.constant 0 : i32
      %dma_wait3A_47 = arith.constant 0 : i32
      %dma_wait3A_48 = tpu.memref_slice %arg12[%dma_wait3A_46, %dma_wait3A_47] : memref<10000x128xf32, #tpu.memory_space<vmem_shared>> -> memref<10000x128xf32, #tpu.memory_space<vmem_shared>>
      tpu.wait_indirect_dma semaphore(%run_scoped3A_36 : memref<!tpu.dma_semaphore, #tpu.memory_space<semaphore_mem>>) src(%arg10 : memref<80x128xf32, #tpu.memory_space<vmem>>) dst(%dma_wait3A_48 : memref<10000x128xf32, #tpu.memory_space<vmem_shared>>)
      tpu.yield
    }) : () -> ()
    %barrier3A_28 = arith.constant 0 : index
    tpu.barrier barrier_id(%barrier3A_28)
    %eq3A = arith.constant 0 : i32
    %eq3A_29 = arith.cmpi eq, %arg0, %eq3A : i32
    %convert_element_type3A = arith.extui %eq3A_29 : i1 to i32
    %cond3A = arith.constant 0 : i32
    %cond3A_30 = arith.cmpi ne, %convert_element_type3A, %cond3A : i32
    scf.if %cond3A_30 {
      "tpu.region"() ({
        %run_scoped3A_36 = tpu.sem_alloc : memref<!tpu.dma_semaphore, #tpu.memory_space<semaphore_mem>>
        %dma_start3A_37 = arith.constant 0 : i32
        %dma_start3A_38 = tpu.memref_slice %arg6[%multiple_of3A_6, %dma_start3A_37] : memref<10000x128xf32, #tpu.memory_space<hbm>> -> memref<632x128xf32, #tpu.memory_space<hbm>>
        %dma_start3A_39 = arith.constant 0 : i32
        %dma_start3A_40 = tpu.memref_slice %arg12[%multiple_of3A_6, %dma_start3A_39] : memref<10000x128xf32, #tpu.memory_space<vmem_shared>> -> memref<632x128xf32, #tpu.memory_space<vmem_shared>>
        tpu.enqueue_dma source(%dma_start3A_40 : memref<632x128xf32, #tpu.memory_space<vmem_shared>>) target(%dma_start3A_38 : memref<632x128xf32, #tpu.memory_space<hbm>>) target_semaphore(%run_scoped3A_36 : memref<!tpu.dma_semaphore, #tpu.memory_space<semaphore_mem>>)
        %dma_wait3A_41 = arith.constant 0 : i32
        %dma_wait3A_42 = tpu.memref_slice %arg6[%multiple_of3A_6, %dma_wait3A_41] : memref<10000x128xf32, #tpu.memory_space<hbm>> -> memref<632x128xf32, #tpu.memory_space<hbm>>
        %dma_wait3A_43 = arith.constant 0 : i32
        %dma_wait3A_44 = tpu.memref_slice %arg12[%multiple_of3A_6, %dma_wait3A_43] : memref<10000x128xf32, #tpu.memory_space<vmem_shared>> -> memref<632x128xf32, #tpu.memory_space<vmem_shared>>
        tpu.wait_dma2 semaphore(%run_scoped3A_36 : memref<!tpu.dma_semaphore, #tpu.memory_space<semaphore_mem>>) src(%dma_wait3A_44 : memref<632x128xf32, #tpu.memory_space<vmem_shared>>) dst(%dma_wait3A_42 : memref<632x128xf32, #tpu.memory_space<hbm>>)
        tpu.yield
      }) : () -> ()
    } else {
    }
    %eq3A_31 = arith.constant 1 : i32
    %eq3A_32 = arith.cmpi eq, %arg0, %eq3A_31 : i32
    %convert_element_type3A_33 = arith.extui %eq3A_32 : i1 to i32
    %cond3A_34 = arith.constant 0 : i32
    %cond3A_35 = arith.cmpi ne, %convert_element_type3A_33, %cond3A_34 : i32
    scf.if %cond3A_35 {
      "tpu.region"() ({
        %run_scoped3A_36 = tpu.sem_alloc : memref<!tpu.dma_semaphore, #tpu.memory_space<semaphore_mem>>
        %dma_start3A_37 = arith.constant 0 : i32
        %dma_start3A_38 = tpu.memref_slice %arg7[%multiple_of3A_6, %dma_start3A_37] : memref<10000x128xf32, #tpu.memory_space<hbm>> -> memref<632x128xf32, #tpu.memory_space<hbm>>
        %dma_start3A_39 = arith.constant 0 : i32
        %dma_start3A_40 = tpu.memref_slice %arg12[%multiple_of3A_6, %dma_start3A_39] : memref<10000x128xf32, #tpu.memory_space<vmem_shared>> -> memref<632x128xf32, #tpu.memory_space<vmem_shared>>
        tpu.enqueue_dma source(%dma_start3A_40 : memref<632x128xf32, #tpu.memory_space<vmem_shared>>) target(%dma_start3A_38 : memref<632x128xf32, #tpu.memory_space<hbm>>) target_semaphore(%run_scoped3A_36 : memref<!tpu.dma_semaphore, #tpu.memory_space<semaphore_mem>>)
        %dma_wait3A_41 = arith.constant 0 : i32
        %dma_wait3A_42 = tpu.memref_slice %arg7[%multiple_of3A_6, %dma_wait3A_41] : memref<10000x128xf32, #tpu.memory_space<hbm>> -> memref<632x128xf32, #tpu.memory_space<hbm>>
        %dma_wait3A_43 = arith.constant 0 : i32
        %dma_wait3A_44 = tpu.memref_slice %arg12[%multiple_of3A_6, %dma_wait3A_43] : memref<10000x128xf32, #tpu.memory_space<vmem_shared>> -> memref<632x128xf32, #tpu.memory_space<vmem_shared>>
        tpu.wait_dma2 semaphore(%run_scoped3A_36 : memref<!tpu.dma_semaphore, #tpu.memory_space<semaphore_mem>>) src(%dma_wait3A_44 : memref<632x128xf32, #tpu.memory_space<vmem_shared>>) dst(%dma_wait3A_42 : memref<632x128xf32, #tpu.memory_space<hbm>>)
        tpu.yield
      }) : () -> ()
    } else {
    }
    return
  }
}

#map = affine_map<(d0, d1) -> (0, 0)>
#map1 = affine_map<(d0, d1) -> (0)>
#map2 = affine_map<(d0, d1) -> (0, 0, 0)>
module attributes {stable_mosaic.version = 14 : i64} {
  func.func @_edge_body(%arg0: i32, %arg1: i32, %arg2: memref<160000x128xf32, #tpu.memory_space<hbm>>, %arg3: memref<320000xi32, #tpu.memory_space<hbm>>, %arg4: memref<32x125x80xi32, #tpu.memory_space<hbm>>, %arg5: memref<10000x128xf32, #tpu.memory_space<hbm>>, %arg6: memref<10000x128xf32, #tpu.memory_space<hbm>>, %arg7: memref<10000x128xf32, #tpu.memory_space<hbm>>, %arg8: memref<10000xi32, #tpu.memory_space<vmem>>, %arg9: memref<125x80xi32, #tpu.memory_space<vmem>>, %arg10: memref<80x128xf32, #tpu.memory_space<vmem>>, %arg11: memref<80x128xf32, #tpu.memory_space<vmem>>, %arg12: memref<10000x128xf32, #tpu.memory_space<vmem_shared>>, %arg13: memref<!tpu.dma_semaphore, #tpu.memory_space<semaphore_mem>>, %arg14: memref<!tpu.dma_semaphore, #tpu.memory_space<semaphore_mem>>) attributes {dimension_semantics = [#tpu.dimension_semantics<core_parallel>, #tpu.dimension_semantics<subcore_parallel>], iteration_bounds = array<i64: 2, 16>, scalar_prefetch = 0 : i64, scratch_operands = 7 : i64, tpu.core_type = #tpu.core_type<sc_vector_subcore>, window_params = [{transform_indices = #map}, {transform_indices = #map1}, {transform_indices = #map2}, {transform_indices = #map}, {transform_indices = #map}, {transform_indices = #map}]} {
    %mul3A = arith.constant 2 : i32
    %mul3A_0 = arith.muli %arg1, %mul3A : i32
    %add3A = arith.addi %mul3A_0, %arg0 : i32
    %mul3A_1 = arith.constant 10000 : i32
    %mul3A_2 = arith.muli %add3A, %mul3A_1 : i32
    %multiple_of3A = tpu.assume_multiple %mul3A_2, 8 : i32
    "tpu.region"() ({
      %run_scoped3A_36 = tpu.sem_alloc : memref<!tpu.dma_semaphore, #tpu.memory_space<semaphore_mem>>
      %dma_start3A_37 = tpu.memref_slice %arg3[%multiple_of3A] : memref<320000xi32, #tpu.memory_space<hbm>> -> memref<10000xi32, #tpu.memory_space<hbm>>
      %dma_start3A_38 = tpu.memref_slice %arg3[%multiple_of3A] : memref<320000xi32, #tpu.memory_space<hbm>> -> memref<10000xi32, #tpu.memory_space<hbm>>
      tpu.enqueue_dma source(%dma_start3A_38 : memref<10000xi32, #tpu.memory_space<hbm>>) target(%arg8 : memref<10000xi32, #tpu.memory_space<vmem>>) target_semaphore(%run_scoped3A_36 : memref<!tpu.dma_semaphore, #tpu.memory_space<semaphore_mem>>)
      %dma_wait3A_39 = tpu.memref_slice %arg3[%multiple_of3A] : memref<320000xi32, #tpu.memory_space<hbm>> -> memref<10000xi32, #tpu.memory_space<hbm>>
      %dma_wait3A_40 = tpu.memref_slice %arg3[%multiple_of3A] : memref<320000xi32, #tpu.memory_space<hbm>> -> memref<10000xi32, #tpu.memory_space<hbm>>
      tpu.wait_dma2 semaphore(%run_scoped3A_36 : memref<!tpu.dma_semaphore, #tpu.memory_space<semaphore_mem>>) src(%dma_wait3A_40 : memref<10000xi32, #tpu.memory_space<hbm>>) dst(%arg8 : memref<10000xi32, #tpu.memory_space<vmem>>)
      tpu.yield
    }) : () -> ()
    "tpu.region"() ({
      %run_scoped3A_36 = tpu.sem_alloc : memref<!tpu.dma_semaphore, #tpu.memory_space<semaphore_mem>>
      %dma_start3A_37 = arith.constant 0 : i32
      %dma_start3A_38 = arith.constant 0 : i32
      %dma_start3A_39 = tpu.memref_slice %arg4[%add3A, %dma_start3A_37, %dma_start3A_38] : memref<32x125x80xi32, #tpu.memory_space<hbm>> -> memref<1x125x80xi32, #tpu.memory_space<hbm>>
      %dma_start3A_40 = tpu.memref_squeeze %dma_start3A_39 : memref<1x125x80xi32, #tpu.memory_space<hbm>> -> memref<125x80xi32, #tpu.memory_space<hbm>>
      %dma_start3A_41 = arith.constant 0 : i32
      %dma_start3A_42 = arith.constant 0 : i32
      %dma_start3A_43 = tpu.memref_slice %arg4[%add3A, %dma_start3A_41, %dma_start3A_42] : memref<32x125x80xi32, #tpu.memory_space<hbm>> -> memref<1x125x80xi32, #tpu.memory_space<hbm>>
      %dma_start3A_44 = tpu.memref_squeeze %dma_start3A_43 : memref<1x125x80xi32, #tpu.memory_space<hbm>> -> memref<125x80xi32, #tpu.memory_space<hbm>>
      tpu.enqueue_dma source(%dma_start3A_44 : memref<125x80xi32, #tpu.memory_space<hbm>>) target(%arg9 : memref<125x80xi32, #tpu.memory_space<vmem>>) target_semaphore(%run_scoped3A_36 : memref<!tpu.dma_semaphore, #tpu.memory_space<semaphore_mem>>)
      %dma_wait3A_45 = arith.constant 0 : i32
      %dma_wait3A_46 = arith.constant 0 : i32
      %dma_wait3A_47 = tpu.memref_slice %arg4[%add3A, %dma_wait3A_45, %dma_wait3A_46] : memref<32x125x80xi32, #tpu.memory_space<hbm>> -> memref<1x125x80xi32, #tpu.memory_space<hbm>>
      %dma_wait3A_48 = tpu.memref_squeeze %dma_wait3A_47 : memref<1x125x80xi32, #tpu.memory_space<hbm>> -> memref<125x80xi32, #tpu.memory_space<hbm>>
      %dma_wait3A_49 = arith.constant 0 : i32
      %dma_wait3A_50 = arith.constant 0 : i32
      %dma_wait3A_51 = tpu.memref_slice %arg4[%add3A, %dma_wait3A_49, %dma_wait3A_50] : memref<32x125x80xi32, #tpu.memory_space<hbm>> -> memref<1x125x80xi32, #tpu.memory_space<hbm>>
      %dma_wait3A_52 = tpu.memref_squeeze %dma_wait3A_51 : memref<1x125x80xi32, #tpu.memory_space<hbm>> -> memref<125x80xi32, #tpu.memory_space<hbm>>
      tpu.wait_dma2 semaphore(%run_scoped3A_36 : memref<!tpu.dma_semaphore, #tpu.memory_space<semaphore_mem>>) src(%dma_wait3A_52 : memref<125x80xi32, #tpu.memory_space<hbm>>) dst(%arg9 : memref<125x80xi32, #tpu.memory_space<vmem>>)
      tpu.yield
    }) : () -> ()
    %mul3A_3 = arith.constant 632 : i32
    %mul3A_4 = arith.muli %arg1, %mul3A_3 : i32
    %min3A = arith.constant 9368 : i32
    %min3A_5 = arith.minsi %mul3A_4, %min3A : i32
    %multiple_of3A_6 = tpu.assume_multiple %min3A_5, 8 : i32
    "tpu.region"() ({
      %run_scoped3A_36 = tpu.sem_alloc : memref<!tpu.dma_semaphore, #tpu.memory_space<semaphore_mem>>
      %dma_start3A_37 = arith.constant 0 : i32
      %dma_start3A_38 = tpu.memref_slice %arg12[%multiple_of3A_6, %dma_start3A_37] : memref<10000x128xf32, #tpu.memory_space<vmem_shared>> -> memref<632x128xf32, #tpu.memory_space<vmem_shared>>
      %dma_start3A_39 = arith.constant 0 : i32
      %dma_start3A_40 = tpu.memref_slice %arg5[%multiple_of3A_6, %dma_start3A_39] : memref<10000x128xf32, #tpu.memory_space<hbm>> -> memref<632x128xf32, #tpu.memory_space<hbm>>
      tpu.enqueue_dma source(%dma_start3A_40 : memref<632x128xf32, #tpu.memory_space<hbm>>) target(%dma_start3A_38 : memref<632x128xf32, #tpu.memory_space<vmem_shared>>) target_semaphore(%run_scoped3A_36 : memref<!tpu.dma_semaphore, #tpu.memory_space<semaphore_mem>>)
      %dma_wait3A_41 = arith.constant 0 : i32
      %dma_wait3A_42 = tpu.memref_slice %arg12[%multiple_of3A_6, %dma_wait3A_41] : memref<10000x128xf32, #tpu.memory_space<vmem_shared>> -> memref<632x128xf32, #tpu.memory_space<vmem_shared>>
      %dma_wait3A_43 = arith.constant 0 : i32
      %dma_wait3A_44 = tpu.memref_slice %arg5[%multiple_of3A_6, %dma_wait3A_43] : memref<10000x128xf32, #tpu.memory_space<hbm>> -> memref<632x128xf32, #tpu.memory_space<hbm>>
      tpu.wait_dma2 semaphore(%run_scoped3A_36 : memref<!tpu.dma_semaphore, #tpu.memory_space<semaphore_mem>>) src(%dma_wait3A_44 : memref<632x128xf32, #tpu.memory_space<hbm>>) dst(%dma_wait3A_42 : memref<632x128xf32, #tpu.memory_space<vmem_shared>>)
      tpu.yield
    }) : () -> ()
    %barrier3A = arith.constant 0 : index
    tpu.barrier barrier_id(%barrier3A)
    %multiple_of3A_7 = arith.constant 0 : i32
    %multiple_of3A_8 = tpu.assume_multiple %multiple_of3A_7, 8 : i32
    %dma_start3A = tpu.memref_slice %arg8[%multiple_of3A_8] : memref<10000xi32, #tpu.memory_space<vmem>> -> memref<80xi32, #tpu.memory_space<vmem>>
    %dma_start3A_9 = arith.constant 0 : i32
    %dma_start3A_10 = arith.constant 0 : i32
    %dma_start3A_11 = tpu.memref_slice %arg2[%dma_start3A_9, %dma_start3A_10] : memref<160000x128xf32, #tpu.memory_space<hbm>> -> memref<160000x128xf32, #tpu.memory_space<hbm>>
    tpu.enqueue_indirect_dma source(%dma_start3A_11 : memref<160000x128xf32, #tpu.memory_space<hbm>>) target(%arg10 : memref<80x128xf32, #tpu.memory_space<vmem>>) offsets(%dma_start3A : memref<80xi32, #tpu.memory_space<vmem>>) semaphore(%arg13 : memref<!tpu.dma_semaphore, #tpu.memory_space<semaphore_mem>>)
    %multiple_of3A_12 = arith.constant 80 : i32
    %multiple_of3A_13 = tpu.assume_multiple %multiple_of3A_12, 8 : i32
    %dma_start3A_14 = tpu.memref_slice %arg8[%multiple_of3A_13] : memref<10000xi32, #tpu.memory_space<vmem>> -> memref<80xi32, #tpu.memory_space<vmem>>
    %dma_start3A_15 = arith.constant 0 : i32
    %dma_start3A_16 = arith.constant 0 : i32
    %dma_start3A_17 = tpu.memref_slice %arg2[%dma_start3A_15, %dma_start3A_16] : memref<160000x128xf32, #tpu.memory_space<hbm>> -> memref<160000x128xf32, #tpu.memory_space<hbm>>
    tpu.enqueue_indirect_dma source(%dma_start3A_17 : memref<160000x128xf32, #tpu.memory_space<hbm>>) target(%arg11 : memref<80x128xf32, #tpu.memory_space<vmem>>) offsets(%dma_start3A_14 : memref<80xi32, #tpu.memory_space<vmem>>) semaphore(%arg14 : memref<!tpu.dma_semaphore, #tpu.memory_space<semaphore_mem>>)
    %scan3A = arith.constant 0 : i32
    %scan3A_18 = arith.constant 0 : i32
    %scan3A_19 = arith.constant 62 : i32
    %scan3A_20 = arith.addi %scan3A_18, %scan3A_19 : i32
    %scan3A_21 = arith.constant 1 : i32
    scf.for %scan3A_36 = %scan3A_18 to %scan3A_20 step %scan3A_21  : i32 {
      %mul3A_37 = arith.constant 2 : i32
      %mul3A_38 = arith.muli %mul3A_37, %scan3A_36 : i32
      %add3A_39 = arith.constant 0 : i32
      %add3A_40 = arith.addi %mul3A_38, %add3A_39 : i32
      %mul3A_41 = arith.constant 80 : i32
      %mul3A_42 = arith.muli %add3A_40, %mul3A_41 : i32
      %multiple_of3A_43 = tpu.assume_multiple %mul3A_42, 8 : i32
      %dma_wait3A_44 = tpu.memref_slice %arg8[%multiple_of3A_43] : memref<10000xi32, #tpu.memory_space<vmem>> -> memref<80xi32, #tpu.memory_space<vmem>>
      %dma_wait3A_45 = arith.constant 0 : i32
      %dma_wait3A_46 = arith.constant 0 : i32
      %dma_wait3A_47 = tpu.memref_slice %arg2[%dma_wait3A_45, %dma_wait3A_46] : memref<160000x128xf32, #tpu.memory_space<hbm>> -> memref<160000x128xf32, #tpu.memory_space<hbm>>
      tpu.wait_indirect_dma semaphore(%arg13 : memref<!tpu.dma_semaphore, #tpu.memory_space<semaphore_mem>>) src(%dma_wait3A_47 : memref<160000x128xf32, #tpu.memory_space<hbm>>) dst(%arg10 : memref<80x128xf32, #tpu.memory_space<vmem>>)
      "tpu.region"() ({
        %run_scoped3A_72 = tpu.sem_alloc : memref<!tpu.dma_semaphore, #tpu.memory_space<semaphore_mem>>
        %dma_start3A_73 = arith.constant 0 : i32
        %dma_start3A_74 = tpu.memref_slice %arg9[%add3A_40, %dma_start3A_73] : memref<125x80xi32, #tpu.memory_space<vmem>> -> memref<1x80xi32, #tpu.memory_space<vmem>>
        %dma_start3A_75 = tpu.memref_squeeze %dma_start3A_74 : memref<1x80xi32, #tpu.memory_space<vmem>> -> memref<80xi32, #tpu.memory_space<vmem>>
        %dma_start3A_76 = arith.constant 0 : i32
        %dma_start3A_77 = arith.constant 0 : i32
        %dma_start3A_78 = tpu.memref_slice %arg12[%dma_start3A_76, %dma_start3A_77] : memref<10000x128xf32, #tpu.memory_space<vmem_shared>> -> memref<10000x128xf32, #tpu.memory_space<vmem_shared>>
        tpu.enqueue_indirect_dma source(%arg10 : memref<80x128xf32, #tpu.memory_space<vmem>>) target(%dma_start3A_78 : memref<10000x128xf32, #tpu.memory_space<vmem_shared>>) offsets(%dma_start3A_75 : memref<80xi32, #tpu.memory_space<vmem>>) semaphore(%run_scoped3A_72 : memref<!tpu.dma_semaphore, #tpu.memory_space<semaphore_mem>>) {add = true}
        %dma_wait3A_79 = arith.constant 0 : i32
        %dma_wait3A_80 = tpu.memref_slice %arg9[%add3A_40, %dma_wait3A_79] : memref<125x80xi32, #tpu.memory_space<vmem>> -> memref<1x80xi32, #tpu.memory_space<vmem>>
        %dma_wait3A_81 = tpu.memref_squeeze %dma_wait3A_80 : memref<1x80xi32, #tpu.memory_space<vmem>> -> memref<80xi32, #tpu.memory_space<vmem>>
        %dma_wait3A_82 = arith.constant 0 : i32
        %dma_wait3A_83 = arith.constant 0 : i32
        %dma_wait3A_84 = tpu.memref_slice %arg12[%dma_wait3A_82, %dma_wait3A_83] : memref<10000x128xf32, #tpu.memory_space<vmem_shared>> -> memref<10000x128xf32, #tpu.memory_space<vmem_shared>>
        tpu.wait_indirect_dma semaphore(%run_scoped3A_72 : memref<!tpu.dma_semaphore, #tpu.memory_space<semaphore_mem>>) src(%arg10 : memref<80x128xf32, #tpu.memory_space<vmem>>) dst(%dma_wait3A_84 : memref<10000x128xf32, #tpu.memory_space<vmem_shared>>)
        tpu.yield
      }) : () -> ()
      %add3A_48 = arith.constant 2 : i32
      %add3A_49 = arith.addi %add3A_40, %add3A_48 : i32
      %lt3A = arith.constant 125 : i32
      %lt3A_50 = arith.cmpi slt, %add3A_49, %lt3A : i32
      %convert_element_type3A_51 = arith.extui %lt3A_50 : i1 to i32
      %cond3A_52 = arith.constant 0 : i32
      %cond3A_53 = arith.cmpi ne, %convert_element_type3A_51, %cond3A_52 : i32
      scf.if %cond3A_53 {
        %add3A_72 = arith.constant 2 : i32
        %add3A_73 = arith.addi %add3A_40, %add3A_72 : i32
        %mul3A_74 = arith.constant 80 : i32
        %mul3A_75 = arith.muli %add3A_73, %mul3A_74 : i32
        %multiple_of3A_76 = tpu.assume_multiple %mul3A_75, 8 : i32
        %dma_start3A_77 = tpu.memref_slice %arg8[%multiple_of3A_76] : memref<10000xi32, #tpu.memory_space<vmem>> -> memref<80xi32, #tpu.memory_space<vmem>>
        %dma_start3A_78 = arith.constant 0 : i32
        %dma_start3A_79 = arith.constant 0 : i32
        %dma_start3A_80 = tpu.memref_slice %arg2[%dma_start3A_78, %dma_start3A_79] : memref<160000x128xf32, #tpu.memory_space<hbm>> -> memref<160000x128xf32, #tpu.memory_space<hbm>>
        tpu.enqueue_indirect_dma source(%dma_start3A_80 : memref<160000x128xf32, #tpu.memory_space<hbm>>) target(%arg10 : memref<80x128xf32, #tpu.memory_space<vmem>>) offsets(%dma_start3A_77 : memref<80xi32, #tpu.memory_space<vmem>>) semaphore(%arg13 : memref<!tpu.dma_semaphore, #tpu.memory_space<semaphore_mem>>)
      } else {
      }
      %mul3A_54 = arith.constant 2 : i32
      %mul3A_55 = arith.muli %mul3A_54, %scan3A_36 : i32
      %add3A_56 = arith.constant 1 : i32
      %add3A_57 = arith.addi %mul3A_55, %add3A_56 : i32
      %mul3A_58 = arith.constant 80 : i32
      %mul3A_59 = arith.muli %add3A_57, %mul3A_58 : i32
      %multiple_of3A_60 = tpu.assume_multiple %mul3A_59, 8 : i32
      %dma_wait3A_61 = tpu.memref_slice %arg8[%multiple_of3A_60] : memref<10000xi32, #tpu.memory_space<vmem>> -> memref<80xi32, #tpu.memory_space<vmem>>
      %dma_wait3A_62 = arith.constant 0 : i32
      %dma_wait3A_63 = arith.constant 0 : i32
      %dma_wait3A_64 = tpu.memref_slice %arg2[%dma_wait3A_62, %dma_wait3A_63] : memref<160000x128xf32, #tpu.memory_space<hbm>> -> memref<160000x128xf32, #tpu.memory_space<hbm>>
      tpu.wait_indirect_dma semaphore(%arg14 : memref<!tpu.dma_semaphore, #tpu.memory_space<semaphore_mem>>) src(%dma_wait3A_64 : memref<160000x128xf32, #tpu.memory_space<hbm>>) dst(%arg11 : memref<80x128xf32, #tpu.memory_space<vmem>>)
      "tpu.region"() ({
        %run_scoped3A_72 = tpu.sem_alloc : memref<!tpu.dma_semaphore, #tpu.memory_space<semaphore_mem>>
        %dma_start3A_73 = arith.constant 0 : i32
        %dma_start3A_74 = tpu.memref_slice %arg9[%add3A_57, %dma_start3A_73] : memref<125x80xi32, #tpu.memory_space<vmem>> -> memref<1x80xi32, #tpu.memory_space<vmem>>
        %dma_start3A_75 = tpu.memref_squeeze %dma_start3A_74 : memref<1x80xi32, #tpu.memory_space<vmem>> -> memref<80xi32, #tpu.memory_space<vmem>>
        %dma_start3A_76 = arith.constant 0 : i32
        %dma_start3A_77 = arith.constant 0 : i32
        %dma_start3A_78 = tpu.memref_slice %arg12[%dma_start3A_76, %dma_start3A_77] : memref<10000x128xf32, #tpu.memory_space<vmem_shared>> -> memref<10000x128xf32, #tpu.memory_space<vmem_shared>>
        tpu.enqueue_indirect_dma source(%arg11 : memref<80x128xf32, #tpu.memory_space<vmem>>) target(%dma_start3A_78 : memref<10000x128xf32, #tpu.memory_space<vmem_shared>>) offsets(%dma_start3A_75 : memref<80xi32, #tpu.memory_space<vmem>>) semaphore(%run_scoped3A_72 : memref<!tpu.dma_semaphore, #tpu.memory_space<semaphore_mem>>) {add = true}
        %dma_wait3A_79 = arith.constant 0 : i32
        %dma_wait3A_80 = tpu.memref_slice %arg9[%add3A_57, %dma_wait3A_79] : memref<125x80xi32, #tpu.memory_space<vmem>> -> memref<1x80xi32, #tpu.memory_space<vmem>>
        %dma_wait3A_81 = tpu.memref_squeeze %dma_wait3A_80 : memref<1x80xi32, #tpu.memory_space<vmem>> -> memref<80xi32, #tpu.memory_space<vmem>>
        %dma_wait3A_82 = arith.constant 0 : i32
        %dma_wait3A_83 = arith.constant 0 : i32
        %dma_wait3A_84 = tpu.memref_slice %arg12[%dma_wait3A_82, %dma_wait3A_83] : memref<10000x128xf32, #tpu.memory_space<vmem_shared>> -> memref<10000x128xf32, #tpu.memory_space<vmem_shared>>
        tpu.wait_indirect_dma semaphore(%run_scoped3A_72 : memref<!tpu.dma_semaphore, #tpu.memory_space<semaphore_mem>>) src(%arg11 : memref<80x128xf32, #tpu.memory_space<vmem>>) dst(%dma_wait3A_84 : memref<10000x128xf32, #tpu.memory_space<vmem_shared>>)
        tpu.yield
      }) : () -> ()
      %add3A_65 = arith.constant 2 : i32
      %add3A_66 = arith.addi %add3A_57, %add3A_65 : i32
      %lt3A_67 = arith.constant 125 : i32
      %lt3A_68 = arith.cmpi slt, %add3A_66, %lt3A_67 : i32
      %convert_element_type3A_69 = arith.extui %lt3A_68 : i1 to i32
      %cond3A_70 = arith.constant 0 : i32
      %cond3A_71 = arith.cmpi ne, %convert_element_type3A_69, %cond3A_70 : i32
      scf.if %cond3A_71 {
        %add3A_72 = arith.constant 2 : i32
        %add3A_73 = arith.addi %add3A_57, %add3A_72 : i32
        %mul3A_74 = arith.constant 80 : i32
        %mul3A_75 = arith.muli %add3A_73, %mul3A_74 : i32
        %multiple_of3A_76 = tpu.assume_multiple %mul3A_75, 8 : i32
        %dma_start3A_77 = tpu.memref_slice %arg8[%multiple_of3A_76] : memref<10000xi32, #tpu.memory_space<vmem>> -> memref<80xi32, #tpu.memory_space<vmem>>
        %dma_start3A_78 = arith.constant 0 : i32
        %dma_start3A_79 = arith.constant 0 : i32
        %dma_start3A_80 = tpu.memref_slice %arg2[%dma_start3A_78, %dma_start3A_79] : memref<160000x128xf32, #tpu.memory_space<hbm>> -> memref<160000x128xf32, #tpu.memory_space<hbm>>
        tpu.enqueue_indirect_dma source(%dma_start3A_80 : memref<160000x128xf32, #tpu.memory_space<hbm>>) target(%arg11 : memref<80x128xf32, #tpu.memory_space<vmem>>) offsets(%dma_start3A_77 : memref<80xi32, #tpu.memory_space<vmem>>) semaphore(%arg14 : memref<!tpu.dma_semaphore, #tpu.memory_space<semaphore_mem>>)
      } else {
      }
    }
    %scan3A_22 = arith.constant 62 : i32
    %multiple_of3A_23 = arith.constant 9920 : i32
    %multiple_of3A_24 = tpu.assume_multiple %multiple_of3A_23, 8 : i32
    %dma_wait3A = tpu.memref_slice %arg8[%multiple_of3A_24] : memref<10000xi32, #tpu.memory_space<vmem>> -> memref<80xi32, #tpu.memory_space<vmem>>
    %dma_wait3A_25 = arith.constant 0 : i32
    %dma_wait3A_26 = arith.constant 0 : i32
    %dma_wait3A_27 = tpu.memref_slice %arg2[%dma_wait3A_25, %dma_wait3A_26] : memref<160000x128xf32, #tpu.memory_space<hbm>> -> memref<160000x128xf32, #tpu.memory_space<hbm>>
    tpu.wait_indirect_dma semaphore(%arg13 : memref<!tpu.dma_semaphore, #tpu.memory_space<semaphore_mem>>) src(%dma_wait3A_27 : memref<160000x128xf32, #tpu.memory_space<hbm>>) dst(%arg10 : memref<80x128xf32, #tpu.memory_space<vmem>>)
    %run_scoped3A = arith.constant 124 : i32
    "tpu.region"() ({
      %run_scoped3A_36 = tpu.sem_alloc : memref<!tpu.dma_semaphore, #tpu.memory_space<semaphore_mem>>
      %dma_start3A_37 = arith.constant 0 : i32
      %dma_start3A_38 = tpu.memref_slice %arg9[%run_scoped3A, %dma_start3A_37] : memref<125x80xi32, #tpu.memory_space<vmem>> -> memref<1x80xi32, #tpu.memory_space<vmem>>
      %dma_start3A_39 = tpu.memref_squeeze %dma_start3A_38 : memref<1x80xi32, #tpu.memory_space<vmem>> -> memref<80xi32, #tpu.memory_space<vmem>>
      %dma_start3A_40 = arith.constant 0 : i32
      %dma_start3A_41 = arith.constant 0 : i32
      %dma_start3A_42 = tpu.memref_slice %arg12[%dma_start3A_40, %dma_start3A_41] : memref<10000x128xf32, #tpu.memory_space<vmem_shared>> -> memref<10000x128xf32, #tpu.memory_space<vmem_shared>>
      tpu.enqueue_indirect_dma source(%arg10 : memref<80x128xf32, #tpu.memory_space<vmem>>) target(%dma_start3A_42 : memref<10000x128xf32, #tpu.memory_space<vmem_shared>>) offsets(%dma_start3A_39 : memref<80xi32, #tpu.memory_space<vmem>>) semaphore(%run_scoped3A_36 : memref<!tpu.dma_semaphore, #tpu.memory_space<semaphore_mem>>) {add = true}
      %dma_wait3A_43 = arith.constant 0 : i32
      %dma_wait3A_44 = tpu.memref_slice %arg9[%run_scoped3A, %dma_wait3A_43] : memref<125x80xi32, #tpu.memory_space<vmem>> -> memref<1x80xi32, #tpu.memory_space<vmem>>
      %dma_wait3A_45 = tpu.memref_squeeze %dma_wait3A_44 : memref<1x80xi32, #tpu.memory_space<vmem>> -> memref<80xi32, #tpu.memory_space<vmem>>
      %dma_wait3A_46 = arith.constant 0 : i32
      %dma_wait3A_47 = arith.constant 0 : i32
      %dma_wait3A_48 = tpu.memref_slice %arg12[%dma_wait3A_46, %dma_wait3A_47] : memref<10000x128xf32, #tpu.memory_space<vmem_shared>> -> memref<10000x128xf32, #tpu.memory_space<vmem_shared>>
      tpu.wait_indirect_dma semaphore(%run_scoped3A_36 : memref<!tpu.dma_semaphore, #tpu.memory_space<semaphore_mem>>) src(%arg10 : memref<80x128xf32, #tpu.memory_space<vmem>>) dst(%dma_wait3A_48 : memref<10000x128xf32, #tpu.memory_space<vmem_shared>>)
      tpu.yield
    }) : () -> ()
    %barrier3A_28 = arith.constant 0 : index
    tpu.barrier barrier_id(%barrier3A_28)
    %eq3A = arith.constant 0 : i32
    %eq3A_29 = arith.cmpi eq, %arg0, %eq3A : i32
    %convert_element_type3A = arith.extui %eq3A_29 : i1 to i32
    %cond3A = arith.constant 0 : i32
    %cond3A_30 = arith.cmpi ne, %convert_element_type3A, %cond3A : i32
    scf.if %cond3A_30 {
      "tpu.region"() ({
        %run_scoped3A_36 = tpu.sem_alloc : memref<!tpu.dma_semaphore, #tpu.memory_space<semaphore_mem>>
        %dma_start3A_37 = arith.constant 0 : i32
        %dma_start3A_38 = tpu.memref_slice %arg6[%multiple_of3A_6, %dma_start3A_37] : memref<10000x128xf32, #tpu.memory_space<hbm>> -> memref<632x128xf32, #tpu.memory_space<hbm>>
        %dma_start3A_39 = arith.constant 0 : i32
        %dma_start3A_40 = tpu.memref_slice %arg12[%multiple_of3A_6, %dma_start3A_39] : memref<10000x128xf32, #tpu.memory_space<vmem_shared>> -> memref<632x128xf32, #tpu.memory_space<vmem_shared>>
        tpu.enqueue_dma source(%dma_start3A_40 : memref<632x128xf32, #tpu.memory_space<vmem_shared>>) target(%dma_start3A_38 : memref<632x128xf32, #tpu.memory_space<hbm>>) target_semaphore(%run_scoped3A_36 : memref<!tpu.dma_semaphore, #tpu.memory_space<semaphore_mem>>)
        %dma_wait3A_41 = arith.constant 0 : i32
        %dma_wait3A_42 = tpu.memref_slice %arg6[%multiple_of3A_6, %dma_wait3A_41] : memref<10000x128xf32, #tpu.memory_space<hbm>> -> memref<632x128xf32, #tpu.memory_space<hbm>>
        %dma_wait3A_43 = arith.constant 0 : i32
        %dma_wait3A_44 = tpu.memref_slice %arg12[%multiple_of3A_6, %dma_wait3A_43] : memref<10000x128xf32, #tpu.memory_space<vmem_shared>> -> memref<632x128xf32, #tpu.memory_space<vmem_shared>>
        tpu.wait_dma2 semaphore(%run_scoped3A_36 : memref<!tpu.dma_semaphore, #tpu.memory_space<semaphore_mem>>) src(%dma_wait3A_44 : memref<632x128xf32, #tpu.memory_space<vmem_shared>>) dst(%dma_wait3A_42 : memref<632x128xf32, #tpu.memory_space<hbm>>)
        tpu.yield
      }) : () -> ()
    } else {
    }
    %eq3A_31 = arith.constant 1 : i32
    %eq3A_32 = arith.cmpi eq, %arg0, %eq3A_31 : i32
    %convert_element_type3A_33 = arith.extui %eq3A_32 : i1 to i32
    %cond3A_34 = arith.constant 0 : i32
    %cond3A_35 = arith.cmpi ne, %convert_element_type3A_33, %cond3A_34 : i32
    scf.if %cond3A_35 {
      "tpu.region"() ({
        %run_scoped3A_36 = tpu.sem_alloc : memref<!tpu.dma_semaphore, #tpu.memory_space<semaphore_mem>>
        %dma_start3A_37 = arith.constant 0 : i32
        %dma_start3A_38 = tpu.memref_slice %arg7[%multiple_of3A_6, %dma_start3A_37] : memref<10000x128xf32, #tpu.memory_space<hbm>> -> memref<632x128xf32, #tpu.memory_space<hbm>>
        %dma_start3A_39 = arith.constant 0 : i32
        %dma_start3A_40 = tpu.memref_slice %arg12[%multiple_of3A_6, %dma_start3A_39] : memref<10000x128xf32, #tpu.memory_space<vmem_shared>> -> memref<632x128xf32, #tpu.memory_space<vmem_shared>>
        tpu.enqueue_dma source(%dma_start3A_40 : memref<632x128xf32, #tpu.memory_space<vmem_shared>>) target(%dma_start3A_38 : memref<632x128xf32, #tpu.memory_space<hbm>>) target_semaphore(%run_scoped3A_36 : memref<!tpu.dma_semaphore, #tpu.memory_space<semaphore_mem>>)
        %dma_wait3A_41 = arith.constant 0 : i32
        %dma_wait3A_42 = tpu.memref_slice %arg7[%multiple_of3A_6, %dma_wait3A_41] : memref<10000x128xf32, #tpu.memory_space<hbm>> -> memref<632x128xf32, #tpu.memory_space<hbm>>
        %dma_wait3A_43 = arith.constant 0 : i32
        %dma_wait3A_44 = tpu.memref_slice %arg12[%multiple_of3A_6, %dma_wait3A_43] : memref<10000x128xf32, #tpu.memory_space<vmem_shared>> -> memref<632x128xf32, #tpu.memory_space<vmem_shared>>
        tpu.wait_dma2 semaphore(%run_scoped3A_36 : memref<!tpu.dma_semaphore, #tpu.memory_space<semaphore_mem>>) src(%dma_wait3A_44 : memref<632x128xf32, #tpu.memory_space<vmem_shared>>) dst(%dma_wait3A_42 : memref<632x128xf32, #tpu.memory_space<hbm>>)
        tpu.yield
      }) : () -> ()
    } else {
    }
    return
  }
}

#map = affine_map<(d0, d1) -> (0, 0)>
#map1 = affine_map<(d0, d1) -> (0)>
#map2 = affine_map<(d0, d1) -> (0, 0, 0)>
module attributes {stable_mosaic.version = 14 : i64} {
  func.func @_edge_body(%arg0: i32, %arg1: i32, %arg2: memref<160000x128xf32, #tpu.memory_space<hbm>>, %arg3: memref<320000xi32, #tpu.memory_space<hbm>>, %arg4: memref<32x125x80xi32, #tpu.memory_space<hbm>>, %arg5: memref<10000x128xf32, #tpu.memory_space<hbm>>, %arg6: memref<10000x128xf32, #tpu.memory_space<hbm>>, %arg7: memref<10000x128xf32, #tpu.memory_space<hbm>>, %arg8: memref<10000xi32, #tpu.memory_space<vmem>>, %arg9: memref<125x80xi32, #tpu.memory_space<vmem>>, %arg10: memref<80x128xf32, #tpu.memory_space<vmem>>, %arg11: memref<80x128xf32, #tpu.memory_space<vmem>>, %arg12: memref<10000x128xf32, #tpu.memory_space<vmem_shared>>, %arg13: memref<!tpu.dma_semaphore, #tpu.memory_space<semaphore_mem>>, %arg14: memref<!tpu.dma_semaphore, #tpu.memory_space<semaphore_mem>>) attributes {dimension_semantics = [#tpu.dimension_semantics<core_parallel>, #tpu.dimension_semantics<subcore_parallel>], iteration_bounds = array<i64: 2, 16>, scalar_prefetch = 0 : i64, scratch_operands = 7 : i64, tpu.core_type = #tpu.core_type<sc_vector_subcore>, window_params = [{transform_indices = #map}, {transform_indices = #map1}, {transform_indices = #map2}, {transform_indices = #map}, {transform_indices = #map}, {transform_indices = #map}]} {
    %mul3A = arith.constant 2 : i32
    %mul3A_0 = arith.muli %arg1, %mul3A : i32
    %add3A = arith.addi %mul3A_0, %arg0 : i32
    %mul3A_1 = arith.constant 10000 : i32
    %mul3A_2 = arith.muli %add3A, %mul3A_1 : i32
    %multiple_of3A = tpu.assume_multiple %mul3A_2, 8 : i32
    "tpu.region"() ({
      %run_scoped3A_36 = tpu.sem_alloc : memref<!tpu.dma_semaphore, #tpu.memory_space<semaphore_mem>>
      %dma_start3A_37 = tpu.memref_slice %arg3[%multiple_of3A] : memref<320000xi32, #tpu.memory_space<hbm>> -> memref<10000xi32, #tpu.memory_space<hbm>>
      %dma_start3A_38 = tpu.memref_slice %arg3[%multiple_of3A] : memref<320000xi32, #tpu.memory_space<hbm>> -> memref<10000xi32, #tpu.memory_space<hbm>>
      tpu.enqueue_dma source(%dma_start3A_38 : memref<10000xi32, #tpu.memory_space<hbm>>) target(%arg8 : memref<10000xi32, #tpu.memory_space<vmem>>) target_semaphore(%run_scoped3A_36 : memref<!tpu.dma_semaphore, #tpu.memory_space<semaphore_mem>>)
      %dma_wait3A_39 = tpu.memref_slice %arg3[%multiple_of3A] : memref<320000xi32, #tpu.memory_space<hbm>> -> memref<10000xi32, #tpu.memory_space<hbm>>
      %dma_wait3A_40 = tpu.memref_slice %arg3[%multiple_of3A] : memref<320000xi32, #tpu.memory_space<hbm>> -> memref<10000xi32, #tpu.memory_space<hbm>>
      tpu.wait_dma2 semaphore(%run_scoped3A_36 : memref<!tpu.dma_semaphore, #tpu.memory_space<semaphore_mem>>) src(%dma_wait3A_40 : memref<10000xi32, #tpu.memory_space<hbm>>) dst(%arg8 : memref<10000xi32, #tpu.memory_space<vmem>>)
      tpu.yield
    }) : () -> ()
    "tpu.region"() ({
      %run_scoped3A_36 = tpu.sem_alloc : memref<!tpu.dma_semaphore, #tpu.memory_space<semaphore_mem>>
      %dma_start3A_37 = arith.constant 0 : i32
      %dma_start3A_38 = arith.constant 0 : i32
      %dma_start3A_39 = tpu.memref_slice %arg4[%add3A, %dma_start3A_37, %dma_start3A_38] : memref<32x125x80xi32, #tpu.memory_space<hbm>> -> memref<1x125x80xi32, #tpu.memory_space<hbm>>
      %dma_start3A_40 = tpu.memref_squeeze %dma_start3A_39 : memref<1x125x80xi32, #tpu.memory_space<hbm>> -> memref<125x80xi32, #tpu.memory_space<hbm>>
      %dma_start3A_41 = arith.constant 0 : i32
      %dma_start3A_42 = arith.constant 0 : i32
      %dma_start3A_43 = tpu.memref_slice %arg4[%add3A, %dma_start3A_41, %dma_start3A_42] : memref<32x125x80xi32, #tpu.memory_space<hbm>> -> memref<1x125x80xi32, #tpu.memory_space<hbm>>
      %dma_start3A_44 = tpu.memref_squeeze %dma_start3A_43 : memref<1x125x80xi32, #tpu.memory_space<hbm>> -> memref<125x80xi32, #tpu.memory_space<hbm>>
      tpu.enqueue_dma source(%dma_start3A_44 : memref<125x80xi32, #tpu.memory_space<hbm>>) target(%arg9 : memref<125x80xi32, #tpu.memory_space<vmem>>) target_semaphore(%run_scoped3A_36 : memref<!tpu.dma_semaphore, #tpu.memory_space<semaphore_mem>>)
      %dma_wait3A_45 = arith.constant 0 : i32
      %dma_wait3A_46 = arith.constant 0 : i32
      %dma_wait3A_47 = tpu.memref_slice %arg4[%add3A, %dma_wait3A_45, %dma_wait3A_46] : memref<32x125x80xi32, #tpu.memory_space<hbm>> -> memref<1x125x80xi32, #tpu.memory_space<hbm>>
      %dma_wait3A_48 = tpu.memref_squeeze %dma_wait3A_47 : memref<1x125x80xi32, #tpu.memory_space<hbm>> -> memref<125x80xi32, #tpu.memory_space<hbm>>
      %dma_wait3A_49 = arith.constant 0 : i32
      %dma_wait3A_50 = arith.constant 0 : i32
      %dma_wait3A_51 = tpu.memref_slice %arg4[%add3A, %dma_wait3A_49, %dma_wait3A_50] : memref<32x125x80xi32, #tpu.memory_space<hbm>> -> memref<1x125x80xi32, #tpu.memory_space<hbm>>
      %dma_wait3A_52 = tpu.memref_squeeze %dma_wait3A_51 : memref<1x125x80xi32, #tpu.memory_space<hbm>> -> memref<125x80xi32, #tpu.memory_space<hbm>>
      tpu.wait_dma2 semaphore(%run_scoped3A_36 : memref<!tpu.dma_semaphore, #tpu.memory_space<semaphore_mem>>) src(%dma_wait3A_52 : memref<125x80xi32, #tpu.memory_space<hbm>>) dst(%arg9 : memref<125x80xi32, #tpu.memory_space<vmem>>)
      tpu.yield
    }) : () -> ()
    %mul3A_3 = arith.constant 632 : i32
    %mul3A_4 = arith.muli %arg1, %mul3A_3 : i32
    %min3A = arith.constant 9368 : i32
    %min3A_5 = arith.minsi %mul3A_4, %min3A : i32
    %multiple_of3A_6 = tpu.assume_multiple %min3A_5, 8 : i32
    "tpu.region"() ({
      %run_scoped3A_36 = tpu.sem_alloc : memref<!tpu.dma_semaphore, #tpu.memory_space<semaphore_mem>>
      %dma_start3A_37 = arith.constant 0 : i32
      %dma_start3A_38 = tpu.memref_slice %arg12[%multiple_of3A_6, %dma_start3A_37] : memref<10000x128xf32, #tpu.memory_space<vmem_shared>> -> memref<632x128xf32, #tpu.memory_space<vmem_shared>>
      %dma_start3A_39 = arith.constant 0 : i32
      %dma_start3A_40 = tpu.memref_slice %arg5[%multiple_of3A_6, %dma_start3A_39] : memref<10000x128xf32, #tpu.memory_space<hbm>> -> memref<632x128xf32, #tpu.memory_space<hbm>>
      tpu.enqueue_dma source(%dma_start3A_40 : memref<632x128xf32, #tpu.memory_space<hbm>>) target(%dma_start3A_38 : memref<632x128xf32, #tpu.memory_space<vmem_shared>>) target_semaphore(%run_scoped3A_36 : memref<!tpu.dma_semaphore, #tpu.memory_space<semaphore_mem>>)
      %dma_wait3A_41 = arith.constant 0 : i32
      %dma_wait3A_42 = tpu.memref_slice %arg12[%multiple_of3A_6, %dma_wait3A_41] : memref<10000x128xf32, #tpu.memory_space<vmem_shared>> -> memref<632x128xf32, #tpu.memory_space<vmem_shared>>
      %dma_wait3A_43 = arith.constant 0 : i32
      %dma_wait3A_44 = tpu.memref_slice %arg5[%multiple_of3A_6, %dma_wait3A_43] : memref<10000x128xf32, #tpu.memory_space<hbm>> -> memref<632x128xf32, #tpu.memory_space<hbm>>
      tpu.wait_dma2 semaphore(%run_scoped3A_36 : memref<!tpu.dma_semaphore, #tpu.memory_space<semaphore_mem>>) src(%dma_wait3A_44 : memref<632x128xf32, #tpu.memory_space<hbm>>) dst(%dma_wait3A_42 : memref<632x128xf32, #tpu.memory_space<vmem_shared>>)
      tpu.yield
    }) : () -> ()
    %barrier3A = arith.constant 0 : index
    tpu.barrier barrier_id(%barrier3A)
    %multiple_of3A_7 = arith.constant 0 : i32
    %multiple_of3A_8 = tpu.assume_multiple %multiple_of3A_7, 8 : i32
    %dma_start3A = tpu.memref_slice %arg8[%multiple_of3A_8] : memref<10000xi32, #tpu.memory_space<vmem>> -> memref<80xi32, #tpu.memory_space<vmem>>
    %dma_start3A_9 = arith.constant 0 : i32
    %dma_start3A_10 = arith.constant 0 : i32
    %dma_start3A_11 = tpu.memref_slice %arg2[%dma_start3A_9, %dma_start3A_10] : memref<160000x128xf32, #tpu.memory_space<hbm>> -> memref<160000x128xf32, #tpu.memory_space<hbm>>
    tpu.enqueue_indirect_dma source(%dma_start3A_11 : memref<160000x128xf32, #tpu.memory_space<hbm>>) target(%arg10 : memref<80x128xf32, #tpu.memory_space<vmem>>) offsets(%dma_start3A : memref<80xi32, #tpu.memory_space<vmem>>) semaphore(%arg13 : memref<!tpu.dma_semaphore, #tpu.memory_space<semaphore_mem>>)
    %multiple_of3A_12 = arith.constant 80 : i32
    %multiple_of3A_13 = tpu.assume_multiple %multiple_of3A_12, 8 : i32
    %dma_start3A_14 = tpu.memref_slice %arg8[%multiple_of3A_13] : memref<10000xi32, #tpu.memory_space<vmem>> -> memref<80xi32, #tpu.memory_space<vmem>>
    %dma_start3A_15 = arith.constant 0 : i32
    %dma_start3A_16 = arith.constant 0 : i32
    %dma_start3A_17 = tpu.memref_slice %arg2[%dma_start3A_15, %dma_start3A_16] : memref<160000x128xf32, #tpu.memory_space<hbm>> -> memref<160000x128xf32, #tpu.memory_space<hbm>>
    tpu.enqueue_indirect_dma source(%dma_start3A_17 : memref<160000x128xf32, #tpu.memory_space<hbm>>) target(%arg11 : memref<80x128xf32, #tpu.memory_space<vmem>>) offsets(%dma_start3A_14 : memref<80xi32, #tpu.memory_space<vmem>>) semaphore(%arg14 : memref<!tpu.dma_semaphore, #tpu.memory_space<semaphore_mem>>)
    %scan3A = arith.constant 0 : i32
    %scan3A_18 = arith.constant 0 : i32
    %scan3A_19 = arith.constant 62 : i32
    %scan3A_20 = arith.addi %scan3A_18, %scan3A_19 : i32
    %scan3A_21 = arith.constant 1 : i32
    scf.for %scan3A_36 = %scan3A_18 to %scan3A_20 step %scan3A_21  : i32 {
      %mul3A_37 = arith.constant 2 : i32
      %mul3A_38 = arith.muli %mul3A_37, %scan3A_36 : i32
      %add3A_39 = arith.constant 0 : i32
      %add3A_40 = arith.addi %mul3A_38, %add3A_39 : i32
      %mul3A_41 = arith.constant 80 : i32
      %mul3A_42 = arith.muli %add3A_40, %mul3A_41 : i32
      %multiple_of3A_43 = tpu.assume_multiple %mul3A_42, 8 : i32
      %dma_wait3A_44 = tpu.memref_slice %arg8[%multiple_of3A_43] : memref<10000xi32, #tpu.memory_space<vmem>> -> memref<80xi32, #tpu.memory_space<vmem>>
      %dma_wait3A_45 = arith.constant 0 : i32
      %dma_wait3A_46 = arith.constant 0 : i32
      %dma_wait3A_47 = tpu.memref_slice %arg2[%dma_wait3A_45, %dma_wait3A_46] : memref<160000x128xf32, #tpu.memory_space<hbm>> -> memref<160000x128xf32, #tpu.memory_space<hbm>>
      tpu.wait_indirect_dma semaphore(%arg13 : memref<!tpu.dma_semaphore, #tpu.memory_space<semaphore_mem>>) src(%dma_wait3A_47 : memref<160000x128xf32, #tpu.memory_space<hbm>>) dst(%arg10 : memref<80x128xf32, #tpu.memory_space<vmem>>)
      "tpu.region"() ({
        %run_scoped3A_72 = tpu.sem_alloc : memref<!tpu.dma_semaphore, #tpu.memory_space<semaphore_mem>>
        %dma_start3A_73 = arith.constant 0 : i32
        %dma_start3A_74 = tpu.memref_slice %arg9[%add3A_40, %dma_start3A_73] : memref<125x80xi32, #tpu.memory_space<vmem>> -> memref<1x80xi32, #tpu.memory_space<vmem>>
        %dma_start3A_75 = tpu.memref_squeeze %dma_start3A_74 : memref<1x80xi32, #tpu.memory_space<vmem>> -> memref<80xi32, #tpu.memory_space<vmem>>
        %dma_start3A_76 = arith.constant 0 : i32
        %dma_start3A_77 = arith.constant 0 : i32
        %dma_start3A_78 = tpu.memref_slice %arg12[%dma_start3A_76, %dma_start3A_77] : memref<10000x128xf32, #tpu.memory_space<vmem_shared>> -> memref<10000x128xf32, #tpu.memory_space<vmem_shared>>
        tpu.enqueue_indirect_dma source(%arg10 : memref<80x128xf32, #tpu.memory_space<vmem>>) target(%dma_start3A_78 : memref<10000x128xf32, #tpu.memory_space<vmem_shared>>) offsets(%dma_start3A_75 : memref<80xi32, #tpu.memory_space<vmem>>) semaphore(%run_scoped3A_72 : memref<!tpu.dma_semaphore, #tpu.memory_space<semaphore_mem>>) {add = true}
        %dma_wait3A_79 = arith.constant 0 : i32
        %dma_wait3A_80 = tpu.memref_slice %arg9[%add3A_40, %dma_wait3A_79] : memref<125x80xi32, #tpu.memory_space<vmem>> -> memref<1x80xi32, #tpu.memory_space<vmem>>
        %dma_wait3A_81 = tpu.memref_squeeze %dma_wait3A_80 : memref<1x80xi32, #tpu.memory_space<vmem>> -> memref<80xi32, #tpu.memory_space<vmem>>
        %dma_wait3A_82 = arith.constant 0 : i32
        %dma_wait3A_83 = arith.constant 0 : i32
        %dma_wait3A_84 = tpu.memref_slice %arg12[%dma_wait3A_82, %dma_wait3A_83] : memref<10000x128xf32, #tpu.memory_space<vmem_shared>> -> memref<10000x128xf32, #tpu.memory_space<vmem_shared>>
        tpu.wait_indirect_dma semaphore(%run_scoped3A_72 : memref<!tpu.dma_semaphore, #tpu.memory_space<semaphore_mem>>) src(%arg10 : memref<80x128xf32, #tpu.memory_space<vmem>>) dst(%dma_wait3A_84 : memref<10000x128xf32, #tpu.memory_space<vmem_shared>>)
        tpu.yield
      }) : () -> ()
      %add3A_48 = arith.constant 2 : i32
      %add3A_49 = arith.addi %add3A_40, %add3A_48 : i32
      %lt3A = arith.constant 125 : i32
      %lt3A_50 = arith.cmpi slt, %add3A_49, %lt3A : i32
      %convert_element_type3A_51 = arith.extui %lt3A_50 : i1 to i32
      %cond3A_52 = arith.constant 0 : i32
      %cond3A_53 = arith.cmpi ne, %convert_element_type3A_51, %cond3A_52 : i32
      scf.if %cond3A_53 {
        %add3A_72 = arith.constant 2 : i32
        %add3A_73 = arith.addi %add3A_40, %add3A_72 : i32
        %mul3A_74 = arith.constant 80 : i32
        %mul3A_75 = arith.muli %add3A_73, %mul3A_74 : i32
        %multiple_of3A_76 = tpu.assume_multiple %mul3A_75, 8 : i32
        %dma_start3A_77 = tpu.memref_slice %arg8[%multiple_of3A_76] : memref<10000xi32, #tpu.memory_space<vmem>> -> memref<80xi32, #tpu.memory_space<vmem>>
        %dma_start3A_78 = arith.constant 0 : i32
        %dma_start3A_79 = arith.constant 0 : i32
        %dma_start3A_80 = tpu.memref_slice %arg2[%dma_start3A_78, %dma_start3A_79] : memref<160000x128xf32, #tpu.memory_space<hbm>> -> memref<160000x128xf32, #tpu.memory_space<hbm>>
        tpu.enqueue_indirect_dma source(%dma_start3A_80 : memref<160000x128xf32, #tpu.memory_space<hbm>>) target(%arg10 : memref<80x128xf32, #tpu.memory_space<vmem>>) offsets(%dma_start3A_77 : memref<80xi32, #tpu.memory_space<vmem>>) semaphore(%arg13 : memref<!tpu.dma_semaphore, #tpu.memory_space<semaphore_mem>>)
      } else {
      }
      %mul3A_54 = arith.constant 2 : i32
      %mul3A_55 = arith.muli %mul3A_54, %scan3A_36 : i32
      %add3A_56 = arith.constant 1 : i32
      %add3A_57 = arith.addi %mul3A_55, %add3A_56 : i32
      %mul3A_58 = arith.constant 80 : i32
      %mul3A_59 = arith.muli %add3A_57, %mul3A_58 : i32
      %multiple_of3A_60 = tpu.assume_multiple %mul3A_59, 8 : i32
      %dma_wait3A_61 = tpu.memref_slice %arg8[%multiple_of3A_60] : memref<10000xi32, #tpu.memory_space<vmem>> -> memref<80xi32, #tpu.memory_space<vmem>>
      %dma_wait3A_62 = arith.constant 0 : i32
      %dma_wait3A_63 = arith.constant 0 : i32
      %dma_wait3A_64 = tpu.memref_slice %arg2[%dma_wait3A_62, %dma_wait3A_63] : memref<160000x128xf32, #tpu.memory_space<hbm>> -> memref<160000x128xf32, #tpu.memory_space<hbm>>
      tpu.wait_indirect_dma semaphore(%arg14 : memref<!tpu.dma_semaphore, #tpu.memory_space<semaphore_mem>>) src(%dma_wait3A_64 : memref<160000x128xf32, #tpu.memory_space<hbm>>) dst(%arg11 : memref<80x128xf32, #tpu.memory_space<vmem>>)
      "tpu.region"() ({
        %run_scoped3A_72 = tpu.sem_alloc : memref<!tpu.dma_semaphore, #tpu.memory_space<semaphore_mem>>
        %dma_start3A_73 = arith.constant 0 : i32
        %dma_start3A_74 = tpu.memref_slice %arg9[%add3A_57, %dma_start3A_73] : memref<125x80xi32, #tpu.memory_space<vmem>> -> memref<1x80xi32, #tpu.memory_space<vmem>>
        %dma_start3A_75 = tpu.memref_squeeze %dma_start3A_74 : memref<1x80xi32, #tpu.memory_space<vmem>> -> memref<80xi32, #tpu.memory_space<vmem>>
        %dma_start3A_76 = arith.constant 0 : i32
        %dma_start3A_77 = arith.constant 0 : i32
        %dma_start3A_78 = tpu.memref_slice %arg12[%dma_start3A_76, %dma_start3A_77] : memref<10000x128xf32, #tpu.memory_space<vmem_shared>> -> memref<10000x128xf32, #tpu.memory_space<vmem_shared>>
        tpu.enqueue_indirect_dma source(%arg11 : memref<80x128xf32, #tpu.memory_space<vmem>>) target(%dma_start3A_78 : memref<10000x128xf32, #tpu.memory_space<vmem_shared>>) offsets(%dma_start3A_75 : memref<80xi32, #tpu.memory_space<vmem>>) semaphore(%run_scoped3A_72 : memref<!tpu.dma_semaphore, #tpu.memory_space<semaphore_mem>>) {add = true}
        %dma_wait3A_79 = arith.constant 0 : i32
        %dma_wait3A_80 = tpu.memref_slice %arg9[%add3A_57, %dma_wait3A_79] : memref<125x80xi32, #tpu.memory_space<vmem>> -> memref<1x80xi32, #tpu.memory_space<vmem>>
        %dma_wait3A_81 = tpu.memref_squeeze %dma_wait3A_80 : memref<1x80xi32, #tpu.memory_space<vmem>> -> memref<80xi32, #tpu.memory_space<vmem>>
        %dma_wait3A_82 = arith.constant 0 : i32
        %dma_wait3A_83 = arith.constant 0 : i32
        %dma_wait3A_84 = tpu.memref_slice %arg12[%dma_wait3A_82, %dma_wait3A_83] : memref<10000x128xf32, #tpu.memory_space<vmem_shared>> -> memref<10000x128xf32, #tpu.memory_space<vmem_shared>>
        tpu.wait_indirect_dma semaphore(%run_scoped3A_72 : memref<!tpu.dma_semaphore, #tpu.memory_space<semaphore_mem>>) src(%arg11 : memref<80x128xf32, #tpu.memory_space<vmem>>) dst(%dma_wait3A_84 : memref<10000x128xf32, #tpu.memory_space<vmem_shared>>)
        tpu.yield
      }) : () -> ()
      %add3A_65 = arith.constant 2 : i32
      %add3A_66 = arith.addi %add3A_57, %add3A_65 : i32
      %lt3A_67 = arith.constant 125 : i32
      %lt3A_68 = arith.cmpi slt, %add3A_66, %lt3A_67 : i32
      %convert_element_type3A_69 = arith.extui %lt3A_68 : i1 to i32
      %cond3A_70 = arith.constant 0 : i32
      %cond3A_71 = arith.cmpi ne, %convert_element_type3A_69, %cond3A_70 : i32
      scf.if %cond3A_71 {
        %add3A_72 = arith.constant 2 : i32
        %add3A_73 = arith.addi %add3A_57, %add3A_72 : i32
        %mul3A_74 = arith.constant 80 : i32
        %mul3A_75 = arith.muli %add3A_73, %mul3A_74 : i32
        %multiple_of3A_76 = tpu.assume_multiple %mul3A_75, 8 : i32
        %dma_start3A_77 = tpu.memref_slice %arg8[%multiple_of3A_76] : memref<10000xi32, #tpu.memory_space<vmem>> -> memref<80xi32, #tpu.memory_space<vmem>>
        %dma_start3A_78 = arith.constant 0 : i32
        %dma_start3A_79 = arith.constant 0 : i32
        %dma_start3A_80 = tpu.memref_slice %arg2[%dma_start3A_78, %dma_start3A_79] : memref<160000x128xf32, #tpu.memory_space<hbm>> -> memref<160000x128xf32, #tpu.memory_space<hbm>>
        tpu.enqueue_indirect_dma source(%dma_start3A_80 : memref<160000x128xf32, #tpu.memory_space<hbm>>) target(%arg11 : memref<80x128xf32, #tpu.memory_space<vmem>>) offsets(%dma_start3A_77 : memref<80xi32, #tpu.memory_space<vmem>>) semaphore(%arg14 : memref<!tpu.dma_semaphore, #tpu.memory_space<semaphore_mem>>)
      } else {
      }
    }
    %scan3A_22 = arith.constant 62 : i32
    %multiple_of3A_23 = arith.constant 9920 : i32
    %multiple_of3A_24 = tpu.assume_multiple %multiple_of3A_23, 8 : i32
    %dma_wait3A = tpu.memref_slice %arg8[%multiple_of3A_24] : memref<10000xi32, #tpu.memory_space<vmem>> -> memref<80xi32, #tpu.memory_space<vmem>>
    %dma_wait3A_25 = arith.constant 0 : i32
    %dma_wait3A_26 = arith.constant 0 : i32
    %dma_wait3A_27 = tpu.memref_slice %arg2[%dma_wait3A_25, %dma_wait3A_26] : memref<160000x128xf32, #tpu.memory_space<hbm>> -> memref<160000x128xf32, #tpu.memory_space<hbm>>
    tpu.wait_indirect_dma semaphore(%arg13 : memref<!tpu.dma_semaphore, #tpu.memory_space<semaphore_mem>>) src(%dma_wait3A_27 : memref<160000x128xf32, #tpu.memory_space<hbm>>) dst(%arg10 : memref<80x128xf32, #tpu.memory_space<vmem>>)
    %run_scoped3A = arith.constant 124 : i32
    "tpu.region"() ({
      %run_scoped3A_36 = tpu.sem_alloc : memref<!tpu.dma_semaphore, #tpu.memory_space<semaphore_mem>>
      %dma_start3A_37 = arith.constant 0 : i32
      %dma_start3A_38 = tpu.memref_slice %arg9[%run_scoped3A, %dma_start3A_37] : memref<125x80xi32, #tpu.memory_space<vmem>> -> memref<1x80xi32, #tpu.memory_space<vmem>>
      %dma_start3A_39 = tpu.memref_squeeze %dma_start3A_38 : memref<1x80xi32, #tpu.memory_space<vmem>> -> memref<80xi32, #tpu.memory_space<vmem>>
      %dma_start3A_40 = arith.constant 0 : i32
      %dma_start3A_41 = arith.constant 0 : i32
      %dma_start3A_42 = tpu.memref_slice %arg12[%dma_start3A_40, %dma_start3A_41] : memref<10000x128xf32, #tpu.memory_space<vmem_shared>> -> memref<10000x128xf32, #tpu.memory_space<vmem_shared>>
      tpu.enqueue_indirect_dma source(%arg10 : memref<80x128xf32, #tpu.memory_space<vmem>>) target(%dma_start3A_42 : memref<10000x128xf32, #tpu.memory_space<vmem_shared>>) offsets(%dma_start3A_39 : memref<80xi32, #tpu.memory_space<vmem>>) semaphore(%run_scoped3A_36 : memref<!tpu.dma_semaphore, #tpu.memory_space<semaphore_mem>>) {add = true}
      %dma_wait3A_43 = arith.constant 0 : i32
      %dma_wait3A_44 = tpu.memref_slice %arg9[%run_scoped3A, %dma_wait3A_43] : memref<125x80xi32, #tpu.memory_space<vmem>> -> memref<1x80xi32, #tpu.memory_space<vmem>>
      %dma_wait3A_45 = tpu.memref_squeeze %dma_wait3A_44 : memref<1x80xi32, #tpu.memory_space<vmem>> -> memref<80xi32, #tpu.memory_space<vmem>>
      %dma_wait3A_46 = arith.constant 0 : i32
      %dma_wait3A_47 = arith.constant 0 : i32
      %dma_wait3A_48 = tpu.memref_slice %arg12[%dma_wait3A_46, %dma_wait3A_47] : memref<10000x128xf32, #tpu.memory_space<vmem_shared>> -> memref<10000x128xf32, #tpu.memory_space<vmem_shared>>
      tpu.wait_indirect_dma semaphore(%run_scoped3A_36 : memref<!tpu.dma_semaphore, #tpu.memory_space<semaphore_mem>>) src(%arg10 : memref<80x128xf32, #tpu.memory_space<vmem>>) dst(%dma_wait3A_48 : memref<10000x128xf32, #tpu.memory_space<vmem_shared>>)
      tpu.yield
    }) : () -> ()
    %barrier3A_28 = arith.constant 0 : index
    tpu.barrier barrier_id(%barrier3A_28)
    %eq3A = arith.constant 0 : i32
    %eq3A_29 = arith.cmpi eq, %arg0, %eq3A : i32
    %convert_element_type3A = arith.extui %eq3A_29 : i1 to i32
    %cond3A = arith.constant 0 : i32
    %cond3A_30 = arith.cmpi ne, %convert_element_type3A, %cond3A : i32
    scf.if %cond3A_30 {
      "tpu.region"() ({
        %run_scoped3A_36 = tpu.sem_alloc : memref<!tpu.dma_semaphore, #tpu.memory_space<semaphore_mem>>
        %dma_start3A_37 = arith.constant 0 : i32
        %dma_start3A_38 = tpu.memref_slice %arg6[%multiple_of3A_6, %dma_start3A_37] : memref<10000x128xf32, #tpu.memory_space<hbm>> -> memref<632x128xf32, #tpu.memory_space<hbm>>
        %dma_start3A_39 = arith.constant 0 : i32
        %dma_start3A_40 = tpu.memref_slice %arg12[%multiple_of3A_6, %dma_start3A_39] : memref<10000x128xf32, #tpu.memory_space<vmem_shared>> -> memref<632x128xf32, #tpu.memory_space<vmem_shared>>
        tpu.enqueue_dma source(%dma_start3A_40 : memref<632x128xf32, #tpu.memory_space<vmem_shared>>) target(%dma_start3A_38 : memref<632x128xf32, #tpu.memory_space<hbm>>) target_semaphore(%run_scoped3A_36 : memref<!tpu.dma_semaphore, #tpu.memory_space<semaphore_mem>>)
        %dma_wait3A_41 = arith.constant 0 : i32
        %dma_wait3A_42 = tpu.memref_slice %arg6[%multiple_of3A_6, %dma_wait3A_41] : memref<10000x128xf32, #tpu.memory_space<hbm>> -> memref<632x128xf32, #tpu.memory_space<hbm>>
        %dma_wait3A_43 = arith.constant 0 : i32
        %dma_wait3A_44 = tpu.memref_slice %arg12[%multiple_of3A_6, %dma_wait3A_43] : memref<10000x128xf32, #tpu.memory_space<vmem_shared>> -> memref<632x128xf32, #tpu.memory_space<vmem_shared>>
        tpu.wait_dma2 semaphore(%run_scoped3A_36 : memref<!tpu.dma_semaphore, #tpu.memory_space<semaphore_mem>>) src(%dma_wait3A_44 : memref<632x128xf32, #tpu.memory_space<vmem_shared>>) dst(%dma_wait3A_42 : memref<632x128xf32, #tpu.memory_space<hbm>>)
        tpu.yield
      }) : () -> ()
    } else {
    }
    %eq3A_31 = arith.constant 1 : i32
    %eq3A_32 = arith.cmpi eq, %arg0, %eq3A_31 : i32
    %convert_element_type3A_33 = arith.extui %eq3A_32 : i1 to i32
    %cond3A_34 = arith.constant 0 : i32
    %cond3A_35 = arith.cmpi ne, %convert_element_type3A_33, %cond3A_34 : i32
    scf.if %cond3A_35 {
      "tpu.region"() ({
        %run_scoped3A_36 = tpu.sem_alloc : memref<!tpu.dma_semaphore, #tpu.memory_space<semaphore_mem>>
        %dma_start3A_37 = arith.constant 0 : i32
        %dma_start3A_38 = tpu.memref_slice %arg7[%multiple_of3A_6, %dma_start3A_37] : memref<10000x128xf32, #tpu.memory_space<hbm>> -> memref<632x128xf32, #tpu.memory_space<hbm>>
        %dma_start3A_39 = arith.constant 0 : i32
        %dma_start3A_40 = tpu.memref_slice %arg12[%multiple_of3A_6, %dma_start3A_39] : memref<10000x128xf32, #tpu.memory_space<vmem_shared>> -> memref<632x128xf32, #tpu.memory_space<vmem_shared>>
        tpu.enqueue_dma source(%dma_start3A_40 : memref<632x128xf32, #tpu.memory_space<vmem_shared>>) target(%dma_start3A_38 : memref<632x128xf32, #tpu.memory_space<hbm>>) target_semaphore(%run_scoped3A_36 : memref<!tpu.dma_semaphore, #tpu.memory_space<semaphore_mem>>)
        %dma_wait3A_41 = arith.constant 0 : i32
        %dma_wait3A_42 = tpu.memref_slice %arg7[%multiple_of3A_6, %dma_wait3A_41] : memref<10000x128xf32, #tpu.memory_space<hbm>> -> memref<632x128xf32, #tpu.memory_space<hbm>>
        %dma_wait3A_43 = arith.constant 0 : i32
        %dma_wait3A_44 = tpu.memref_slice %arg12[%multiple_of3A_6, %dma_wait3A_43] : memref<10000x128xf32, #tpu.memory_space<vmem_shared>> -> memref<632x128xf32, #tpu.memory_space<vmem_shared>>
        tpu.wait_dma2 semaphore(%run_scoped3A_36 : memref<!tpu.dma_semaphore, #tpu.memory_space<semaphore_mem>>) src(%dma_wait3A_44 : memref<632x128xf32, #tpu.memory_space<vmem_shared>>) dst(%dma_wait3A_42 : memref<632x128xf32, #tpu.memory_space<hbm>>)
        tpu.yield
      }) : () -> ()
    } else {
    }
    return
  }
}

module attributes {stable_mosaic.version = 14 : i64} {
  func.func @_mm0_body(%arg0: i32, %arg1: memref<1x1x1000xi32, #tpu.memory_space<vmem>>, %arg2: memref<128x128xf32, #tpu.memory_space<vmem>>, %arg3: memref<1x250x128xi32, #tpu.memory_space<vmem>>, %arg4: memref<1x250x128xi32, #tpu.memory_space<vmem>>, %arg5: memref<128x2048xf32, #tpu.memory_space<vmem>>, %arg6: memref<128x128xf32, #tpu.memory_space<vmem>>, %arg7: memref<1x128xf32, #tpu.memory_space<vmem>>, %arg8: memref<16x1000x128xf32, #tpu.memory_space<vmem>>, %arg9: memref<1000x128xf32, #tpu.memory_space<vmem>>, %arg10: memref<1x250x128xi32, #tpu.memory_space<vmem>>) attributes {dimension_semantics = [#tpu.dimension_semantics<arbitrary>], iteration_bounds = array<i64: 10>, scalar_prefetch = 0 : i64, scratch_operands = 0 : i64, tpu.core_type = #tpu.core_type<tc>, window_params = [{transform_indices = @transform_0, window_bounds = array<i64: 1, 1, 1000>}, {pipeline_mode = #tpu.pipeline_mode<synchronous>, transform_indices = @transform_1, window_bounds = array<i64: 128, 128>}, {transform_indices = @transform_2, window_bounds = array<i64: 1, 250, 128>}, {transform_indices = @transform_3, window_bounds = array<i64: 1, 250, 128>}, {pipeline_mode = #tpu.pipeline_mode<synchronous>, transform_indices = @transform_4, window_bounds = array<i64: 128, 2048>}, {pipeline_mode = #tpu.pipeline_mode<synchronous>, transform_indices = @transform_5, window_bounds = array<i64: 128, 128>}, {pipeline_mode = #tpu.pipeline_mode<synchronous>, transform_indices = @transform_6, window_bounds = array<i64: 1, 128>}, {transform_indices = @transform_7, window_bounds = array<i64: 16, 1000, 128>}, {transform_indices = @transform_8, window_bounds = array<i64: 1000, 128>}, {transform_indices = @transform_9, window_bounds = array<i64: 1, 250, 128>}]} {
    %get3A = arith.constant 0 : index
    %get3A_0 = arith.constant 0 : index
    %get3A_1 = arith.constant 0 : index
    %get3A_2 = vector.load %arg4[%get3A, %get3A_0, %get3A_1] : memref<1x250x128xi32, #tpu.memory_space<vmem>>, vector<1x250x128xi32>
    %get3A_3 = vector.shape_cast %get3A_2 : vector<1x250x128xi32> to vector<250x128xi32>
    %mul3A = arith.constant 10000 : i32
    %mul3A_4 = vector.broadcast %mul3A : i32 to vector<250x128xi32>
    %mul3A_5 = arith.muli %get3A_3, %mul3A_4 : vector<250x128xi32>
    %get3A_6 = arith.constant 0 : index
    %get3A_7 = arith.constant 0 : index
    %get3A_8 = arith.constant 0 : index
    %get3A_9 = vector.load %arg3[%get3A_6, %get3A_7, %get3A_8] : memref<1x250x128xi32, #tpu.memory_space<vmem>>, vector<1x250x128xi32>
    %get3A_10 = vector.shape_cast %get3A_9 : vector<1x250x128xi32> to vector<250x128xi32>
    %add3A = arith.addi %mul3A_5, %get3A_10 : vector<250x128xi32>
    %swap3A = arith.constant 0 : index
    %swap3A_11 = arith.constant 0 : index
    %swap3A_12 = arith.constant 0 : index
    %swap3A_13 = vector.load %arg10[%swap3A, %swap3A_11, %swap3A_12] : memref<1x250x128xi32, #tpu.memory_space<vmem>>, vector<1x250x128xi32>
    %swap3A_14 = vector.shape_cast %swap3A_13 : vector<1x250x128xi32> to vector<250x128xi32>
    %swap3A_15 = vector.shape_cast %add3A : vector<250x128xi32> to vector<1x250x128xi32>
    tpu.vector_store %arg10[%swap3A, %swap3A_11, %swap3A_12], %swap3A_15 {strides = array<i32>} : memref<1x250x128xi32, #tpu.memory_space<vmem>>, vector<1x250x128xi32>,
    %get3A_16 = arith.constant 0 : index
    %get3A_17 = arith.constant 0 : index
    %get3A_18 = arith.constant 0 : index
    %get3A_19 = vector.load %arg1[%get3A_16, %get3A_17, %get3A_18] : memref<1x1x1000xi32, #tpu.memory_space<vmem>>, vector<1x1x1000xi32>
    %get3A_20 = vector.shape_cast %get3A_19 : vector<1x1x1000xi32> to vector<1000xi32>
    %iota3A = tpu.iota {dimensions = array<i32: 1>} : vector<1000x128xi32>
    %broadcast_in_dim3A = vector.shape_cast %get3A_20 : vector<1000xi32> to vector<1000x1xi32>
    %eq3A = vector.broadcast %broadcast_in_dim3A : vector<1000x1xi32> to vector<1000x128xi32>
    %eq3A_21 = arith.cmpi eq, %iota3A, %eq3A : vector<1000x128xi32>
    %convert_element_type3A = arith.extui %eq3A_21 : vector<1000x128xi1> to vector<1000x128xi32>
    %convert_element_type3A_22 = arith.sitofp %convert_element_type3A : vector<1000x128xi32> to vector<1000x128xf32>
    %get3A_23 = arith.constant 0 : index
    %get3A_24 = arith.constant 0 : index
    %get3A_25 = vector.load %arg2[%get3A_23, %get3A_24] : memref<128x128xf32, #tpu.memory_space<vmem>>, vector<128x128xf32>
    %dot_general3A = arith.constant dense<0.000000e+00> : vector<1000x128xf32>
    %dot_general3A_26 = tpu.matmul %convert_element_type3A_22, %get3A_25, %dot_general3A {dimension_numbers = #tpu.dot_dimension_numbers<[1], [0], [0], [1], [0, 0, 1, 1], [], []>, transpose_lhs_hint = false} : vector<1000x128xf32>, vector<128x128xf32>, vector<1000x128xf32> -> vector<1000x128xf32>
    %get3A_27 = arith.constant 0 : index
    %get3A_28 = arith.constant 0 : index
    %get3A_29 = vector.load %arg5[%get3A_27, %get3A_28] : memref<128x2048xf32, #tpu.memory_space<vmem>>, vector<128x2048xf32>
    %dot_general3A_30 = arith.constant dense<0.000000e+00> : vector<1000x2048xf32>
    %dot_general3A_31 = tpu.matmul %dot_general3A_26, %get3A_29, %dot_general3A_30 {dimension_numbers = #tpu.dot_dimension_numbers<[1], [0], [0], [1], [0, 0, 1, 1], [], []>, transpose_lhs_hint = false} : vector<1000x128xf32>, vector<128x2048xf32>, vector<1000x2048xf32> -> vector<1000x2048xf32>
    %slice3A = vector.extract_strided_slice %dot_general3A_31 {offsets = [0, 0], sizes = [1000, 128], strides = [1, 1]} : vector<1000x2048xf32> to vector<1000x128xf32>
    %swap3A_32 = arith.constant 0 : index
    %swap3A_33 = arith.constant 0 : index
    %swap3A_34 = arith.constant 0 : index
    %swap3A_35 = vector.load %arg8[%swap3A_32, %swap3A_33, %swap3A_34] : memref<16x1000x128xf32, #tpu.memory_space<vmem>>, vector<1x1000x128xf32>
    %swap3A_36 = vector.shape_cast %swap3A_35 : vector<1x1000x128xf32> to vector<1000x128xf32>
    %swap3A_37 = vector.shape_cast %slice3A : vector<1000x128xf32> to vector<1x1000x128xf32>
    tpu.vector_store %arg8[%swap3A_32, %swap3A_33, %swap3A_34], %swap3A_37 {strides = array<i32>} : memref<16x1000x128xf32, #tpu.memory_space<vmem>>, vector<1x1000x128xf32>,
    %slice3A_38 = vector.extract_strided_slice %dot_general3A_31 {offsets = [0, 128], sizes = [1000, 128], strides = [1, 1]} : vector<1000x2048xf32> to vector<1000x128xf32>
    %swap3A_39 = arith.constant 1 : index
    %swap3A_40 = arith.constant 0 : index
    %swap3A_41 = arith.constant 0 : index
    %swap3A_42 = vector.load %arg8[%swap3A_39, %swap3A_40, %swap3A_41] : memref<16x1000x128xf32, #tpu.memory_space<vmem>>, vector<1x1000x128xf32>
    %swap3A_43 = vector.shape_cast %swap3A_42 : vector<1x1000x128xf32> to vector<1000x128xf32>
    %swap3A_44 = vector.shape_cast %slice3A_38 : vector<1000x128xf32> to vector<1x1000x128xf32>
    tpu.vector_store %arg8[%swap3A_39, %swap3A_40, %swap3A_41], %swap3A_44 {strides = array<i32>} : memref<16x1000x128xf32, #tpu.memory_space<vmem>>, vector<1x1000x128xf32>,
    %slice3A_45 = vector.extract_strided_slice %dot_general3A_31 {offsets = [0, 256], sizes = [1000, 128], strides = [1, 1]} : vector<1000x2048xf32> to vector<1000x128xf32>
    %swap3A_46 = arith.constant 2 : index
    %swap3A_47 = arith.constant 0 : index
    %swap3A_48 = arith.constant 0 : index
    %swap3A_49 = vector.load %arg8[%swap3A_46, %swap3A_47, %swap3A_48] : memref<16x1000x128xf32, #tpu.memory_space<vmem>>, vector<1x1000x128xf32>
    %swap3A_50 = vector.shape_cast %swap3A_49 : vector<1x1000x128xf32> to vector<1000x128xf32>
    %swap3A_51 = vector.shape_cast %slice3A_45 : vector<1000x128xf32> to vector<1x1000x128xf32>
    tpu.vector_store %arg8[%swap3A_46, %swap3A_47, %swap3A_48], %swap3A_51 {strides = array<i32>} : memref<16x1000x128xf32, #tpu.memory_space<vmem>>, vector<1x1000x128xf32>,
    %slice3A_52 = vector.extract_strided_slice %dot_general3A_31 {offsets = [0, 384], sizes = [1000, 128], strides = [1, 1]} : vector<1000x2048xf32> to vector<1000x128xf32>
    %swap3A_53 = arith.constant 3 : index
    %swap3A_54 = arith.constant 0 : index
    %swap3A_55 = arith.constant 0 : index
    %swap3A_56 = vector.load %arg8[%swap3A_53, %swap3A_54, %swap3A_55] : memref<16x1000x128xf32, #tpu.memory_space<vmem>>, vector<1x1000x128xf32>
    %swap3A_57 = vector.shape_cast %swap3A_56 : vector<1x1000x128xf32> to vector<1000x128xf32>
    %swap3A_58 = vector.shape_cast %slice3A_52 : vector<1000x128xf32> to vector<1x1000x128xf32>
    tpu.vector_store %arg8[%swap3A_53, %swap3A_54, %swap3A_55], %swap3A_58 {strides = array<i32>} : memref<16x1000x128xf32, #tpu.memory_space<vmem>>, vector<1x1000x128xf32>,
    %slice3A_59 = vector.extract_strided_slice %dot_general3A_31 {offsets = [0, 512], sizes = [1000, 128], strides = [1, 1]} : vector<1000x2048xf32> to vector<1000x128xf32>
    %swap3A_60 = arith.constant 4 : index
    %swap3A_61 = arith.constant 0 : index
    %swap3A_62 = arith.constant 0 : index
    %swap3A_63 = vector.load %arg8[%swap3A_60, %swap3A_61, %swap3A_62] : memref<16x1000x128xf32, #tpu.memory_space<vmem>>, vector<1x1000x128xf32>
    %swap3A_64 = vector.shape_cast %swap3A_63 : vector<1x1000x128xf32> to vector<1000x128xf32>
    %swap3A_65 = vector.shape_cast %slice3A_59 : vector<1000x128xf32> to vector<1x1000x128xf32>
    tpu.vector_store %arg8[%swap3A_60, %swap3A_61, %swap3A_62], %swap3A_65 {strides = array<i32>} : memref<16x1000x128xf32, #tpu.memory_space<vmem>>, vector<1x1000x128xf32>,
    %slice3A_66 = vector.extract_strided_slice %dot_general3A_31 {offsets = [0, 640], sizes = [1000, 128], strides = [1, 1]} : vector<1000x2048xf32> to vector<1000x128xf32>
    %swap3A_67 = arith.constant 5 : index
    %swap3A_68 = arith.constant 0 : index
    %swap3A_69 = arith.constant 0 : index
    %swap3A_70 = vector.load %arg8[%swap3A_67, %swap3A_68, %swap3A_69] : memref<16x1000x128xf32, #tpu.memory_space<vmem>>, vector<1x1000x128xf32>
    %swap3A_71 = vector.shape_cast %swap3A_70 : vector<1x1000x128xf32> to vector<1000x128xf32>
    %swap3A_72 = vector.shape_cast %slice3A_66 : vector<1000x128xf32> to vector<1x1000x128xf32>
    tpu.vector_store %arg8[%swap3A_67, %swap3A_68, %swap3A_69], %swap3A_72 {strides = array<i32>} : memref<16x1000x128xf32, #tpu.memory_space<vmem>>, vector<1x1000x128xf32>,
    %slice3A_73 = vector.extract_strided_slice %dot_general3A_31 {offsets = [0, 768], sizes = [1000, 128], strides = [1, 1]} : vector<1000x2048xf32> to vector<1000x128xf32>
    %swap3A_74 = arith.constant 6 : index
    %swap3A_75 = arith.constant 0 : index
    %swap3A_76 = arith.constant 0 : index
    %swap3A_77 = vector.load %arg8[%swap3A_74, %swap3A_75, %swap3A_76] : memref<16x1000x128xf32, #tpu.memory_space<vmem>>, vector<1x1000x128xf32>
    %swap3A_78 = vector.shape_cast %swap3A_77 : vector<1x1000x128xf32> to vector<1000x128xf32>
    %swap3A_79 = vector.shape_cast %slice3A_73 : vector<1000x128xf32> to vector<1x1000x128xf32>
    tpu.vector_store %arg8[%swap3A_74, %swap3A_75, %swap3A_76], %swap3A_79 {strides = array<i32>} : memref<16x1000x128xf32, #tpu.memory_space<vmem>>, vector<1x1000x128xf32>,
    %slice3A_80 = vector.extract_strided_slice %dot_general3A_31 {offsets = [0, 896], sizes = [1000, 128], strides = [1, 1]} : vector<1000x2048xf32> to vector<1000x128xf32>
    %swap3A_81 = arith.constant 7 : index
    %swap3A_82 = arith.constant 0 : index
    %swap3A_83 = arith.constant 0 : index
    %swap3A_84 = vector.load %arg8[%swap3A_81, %swap3A_82, %swap3A_83] : memref<16x1000x128xf32, #tpu.memory_space<vmem>>, vector<1x1000x128xf32>
    %swap3A_85 = vector.shape_cast %swap3A_84 : vector<1x1000x128xf32> to vector<1000x128xf32>
    %swap3A_86 = vector.shape_cast %slice3A_80 : vector<1000x128xf32> to vector<1x1000x128xf32>
    tpu.vector_store %arg8[%swap3A_81, %swap3A_82, %swap3A_83], %swap3A_86 {strides = array<i32>} : memref<16x1000x128xf32, #tpu.memory_space<vmem>>, vector<1x1000x128xf32>,
    %slice3A_87 = vector.extract_strided_slice %dot_general3A_31 {offsets = [0, 1024], sizes = [1000, 128], strides = [1, 1]} : vector<1000x2048xf32> to vector<1000x128xf32>
    %swap3A_88 = arith.constant 8 : index
    %swap3A_89 = arith.constant 0 : index
    %swap3A_90 = arith.constant 0 : index
    %swap3A_91 = vector.load %arg8[%swap3A_88, %swap3A_89, %swap3A_90] : memref<16x1000x128xf32, #tpu.memory_space<vmem>>, vector<1x1000x128xf32>
    %swap3A_92 = vector.shape_cast %swap3A_91 : vector<1x1000x128xf32> to vector<1000x128xf32>
    %swap3A_93 = vector.shape_cast %slice3A_87 : vector<1000x128xf32> to vector<1x1000x128xf32>
    tpu.vector_store %arg8[%swap3A_88, %swap3A_89, %swap3A_90], %swap3A_93 {strides = array<i32>} : memref<16x1000x128xf32, #tpu.memory_space<vmem>>, vector<1x1000x128xf32>,
    %slice3A_94 = vector.extract_strided_slice %dot_general3A_31 {offsets = [0, 1152], sizes = [1000, 128], strides = [1, 1]} : vector<1000x2048xf32> to vector<1000x128xf32>
    %swap3A_95 = arith.constant 9 : index
    %swap3A_96 = arith.constant 0 : index
    %swap3A_97 = arith.constant 0 : index
    %swap3A_98 = vector.load %arg8[%swap3A_95, %swap3A_96, %swap3A_97] : memref<16x1000x128xf32, #tpu.memory_space<vmem>>, vector<1x1000x128xf32>
    %swap3A_99 = vector.shape_cast %swap3A_98 : vector<1x1000x128xf32> to vector<1000x128xf32>
    %swap3A_100 = vector.shape_cast %slice3A_94 : vector<1000x128xf32> to vector<1x1000x128xf32>
    tpu.vector_store %arg8[%swap3A_95, %swap3A_96, %swap3A_97], %swap3A_100 {strides = array<i32>} : memref<16x1000x128xf32, #tpu.memory_space<vmem>>, vector<1x1000x128xf32>,
    %slice3A_101 = vector.extract_strided_slice %dot_general3A_31 {offsets = [0, 1280], sizes = [1000, 128], strides = [1, 1]} : vector<1000x2048xf32> to vector<1000x128xf32>
    %swap3A_102 = arith.constant 10 : index
    %swap3A_103 = arith.constant 0 : index
    %swap3A_104 = arith.constant 0 : index
    %swap3A_105 = vector.load %arg8[%swap3A_102, %swap3A_103, %swap3A_104] : memref<16x1000x128xf32, #tpu.memory_space<vmem>>, vector<1x1000x128xf32>
    %swap3A_106 = vector.shape_cast %swap3A_105 : vector<1x1000x128xf32> to vector<1000x128xf32>
    %swap3A_107 = vector.shape_cast %slice3A_101 : vector<1000x128xf32> to vector<1x1000x128xf32>
    tpu.vector_store %arg8[%swap3A_102, %swap3A_103, %swap3A_104], %swap3A_107 {strides = array<i32>} : memref<16x1000x128xf32, #tpu.memory_space<vmem>>, vector<1x1000x128xf32>,
    %slice3A_108 = vector.extract_strided_slice %dot_general3A_31 {offsets = [0, 1408], sizes = [1000, 128], strides = [1, 1]} : vector<1000x2048xf32> to vector<1000x128xf32>
    %swap3A_109 = arith.constant 11 : index
    %swap3A_110 = arith.constant 0 : index
    %swap3A_111 = arith.constant 0 : index
    %swap3A_112 = vector.load %arg8[%swap3A_109, %swap3A_110, %swap3A_111] : memref<16x1000x128xf32, #tpu.memory_space<vmem>>, vector<1x1000x128xf32>
    %swap3A_113 = vector.shape_cast %swap3A_112 : vector<1x1000x128xf32> to vector<1000x128xf32>
    %swap3A_114 = vector.shape_cast %slice3A_108 : vector<1000x128xf32> to vector<1x1000x128xf32>
    tpu.vector_store %arg8[%swap3A_109, %swap3A_110, %swap3A_111], %swap3A_114 {strides = array<i32>} : memref<16x1000x128xf32, #tpu.memory_space<vmem>>, vector<1x1000x128xf32>,
    %slice3A_115 = vector.extract_strided_slice %dot_general3A_31 {offsets = [0, 1536], sizes = [1000, 128], strides = [1, 1]} : vector<1000x2048xf32> to vector<1000x128xf32>
    %swap3A_116 = arith.constant 12 : index
    %swap3A_117 = arith.constant 0 : index
    %swap3A_118 = arith.constant 0 : index
    %swap3A_119 = vector.load %arg8[%swap3A_116, %swap3A_117, %swap3A_118] : memref<16x1000x128xf32, #tpu.memory_space<vmem>>, vector<1x1000x128xf32>
    %swap3A_120 = vector.shape_cast %swap3A_119 : vector<1x1000x128xf32> to vector<1000x128xf32>
    %swap3A_121 = vector.shape_cast %slice3A_115 : vector<1000x128xf32> to vector<1x1000x128xf32>
    tpu.vector_store %arg8[%swap3A_116, %swap3A_117, %swap3A_118], %swap3A_121 {strides = array<i32>} : memref<16x1000x128xf32, #tpu.memory_space<vmem>>, vector<1x1000x128xf32>,
    %slice3A_122 = vector.extract_strided_slice %dot_general3A_31 {offsets = [0, 1664], sizes = [1000, 128], strides = [1, 1]} : vector<1000x2048xf32> to vector<1000x128xf32>
    %swap3A_123 = arith.constant 13 : index
    %swap3A_124 = arith.constant 0 : index
    %swap3A_125 = arith.constant 0 : index
    %swap3A_126 = vector.load %arg8[%swap3A_123, %swap3A_124, %swap3A_125] : memref<16x1000x128xf32, #tpu.memory_space<vmem>>, vector<1x1000x128xf32>
    %swap3A_127 = vector.shape_cast %swap3A_126 : vector<1x1000x128xf32> to vector<1000x128xf32>
    %swap3A_128 = vector.shape_cast %slice3A_122 : vector<1000x128xf32> to vector<1x1000x128xf32>
    tpu.vector_store %arg8[%swap3A_123, %swap3A_124, %swap3A_125], %swap3A_128 {strides = array<i32>} : memref<16x1000x128xf32, #tpu.memory_space<vmem>>, vector<1x1000x128xf32>,
    %slice3A_129 = vector.extract_strided_slice %dot_general3A_31 {offsets = [0, 1792], sizes = [1000, 128], strides = [1, 1]} : vector<1000x2048xf32> to vector<1000x128xf32>
    %swap3A_130 = arith.constant 14 : index
    %swap3A_131 = arith.constant 0 : index
    %swap3A_132 = arith.constant 0 : index
    %swap3A_133 = vector.load %arg8[%swap3A_130, %swap3A_131, %swap3A_132] : memref<16x1000x128xf32, #tpu.memory_space<vmem>>, vector<1x1000x128xf32>
    %swap3A_134 = vector.shape_cast %swap3A_133 : vector<1x1000x128xf32> to vector<1000x128xf32>
    %swap3A_135 = vector.shape_cast %slice3A_129 : vector<1000x128xf32> to vector<1x1000x128xf32>
    tpu.vector_store %arg8[%swap3A_130, %swap3A_131, %swap3A_132], %swap3A_135 {strides = array<i32>} : memref<16x1000x128xf32, #tpu.memory_space<vmem>>, vector<1x1000x128xf32>,
    %slice3A_136 = vector.extract_strided_slice %dot_general3A_31 {offsets = [0, 1920], sizes = [1000, 128], strides = [1, 1]} : vector<1000x2048xf32> to vector<1000x128xf32>
    %swap3A_137 = arith.constant 15 : index
    %swap3A_138 = arith.constant 0 : index
    %swap3A_139 = arith.constant 0 : index
    %swap3A_140 = vector.load %arg8[%swap3A_137, %swap3A_138, %swap3A_139] : memref<16x1000x128xf32, #tpu.memory_space<vmem>>, vector<1x1000x128xf32>
    %swap3A_141 = vector.shape_cast %swap3A_140 : vector<1x1000x128xf32> to vector<1000x128xf32>
    %swap3A_142 = vector.shape_cast %slice3A_136 : vector<1000x128xf32> to vector<1x1000x128xf32>
    tpu.vector_store %arg8[%swap3A_137, %swap3A_138, %swap3A_139], %swap3A_142 {strides = array<i32>} : memref<16x1000x128xf32, #tpu.memory_space<vmem>>, vector<1x1000x128xf32>,
    %get3A_143 = arith.constant 0 : index
    %get3A_144 = arith.constant 0 : index
    %get3A_145 = vector.load %arg6[%get3A_143, %get3A_144] : memref<128x128xf32, #tpu.memory_space<vmem>>, vector<128x128xf32>
    %dot_general3A_146 = arith.constant dense<0.000000e+00> : vector<1000x128xf32>
    %dot_general3A_147 = tpu.matmul %dot_general3A_26, %get3A_145, %dot_general3A_146 {dimension_numbers = #tpu.dot_dimension_numbers<[1], [0], [0], [1], [0, 0, 1, 1], [], []>, transpose_lhs_hint = false} : vector<1000x128xf32>, vector<128x128xf32>, vector<1000x128xf32> -> vector<1000x128xf32>
    %get3A_148 = arith.constant 0 : index
    %get3A_149 = arith.constant 0 : index
    %get3A_150 = vector.load %arg7[%get3A_148, %get3A_149] : memref<1x128xf32, #tpu.memory_space<vmem>>, vector<1x128xf32>
    %add3A_151 = vector.broadcast %get3A_150 : vector<1x128xf32> to vector<1000x128xf32>
    %add3A_152 = arith.addf %dot_general3A_147, %add3A_151 : vector<1000x128xf32>
    %swap3A_153 = arith.constant 0 : index
    %swap3A_154 = arith.constant 0 : index
    %swap3A_155 = vector.load %arg9[%swap3A_153, %swap3A_154] : memref<1000x128xf32, #tpu.memory_space<vmem>>, vector<1000x128xf32>
    tpu.vector_store %arg9[%swap3A_153, %swap3A_154], %add3A_152 {strides = array<i32>} : memref<1000x128xf32, #tpu.memory_space<vmem>>, vector<1000x128xf32>,
    return
  }
  func.func @transform_0(%arg0: i32) -> (i32, i32, i32) {
    %c0_i32 = arith.constant 0 : i32
    %c0_i32_0 = arith.constant 0 : i32
    %c0_i32_1 = arith.constant 0 : i32
    return %arg0, %c0_i32, %c0_i32_0 : i32, i32, i32
  }
  func.func @transform_1(%arg0: i32) -> (i32, i32) {
    %c0_i32 = arith.constant 0 : i32
    %c0_i32_0 = arith.constant 0 : i32
    %c0_i32_1 = arith.constant 0 : i32
    return %c0_i32, %c0_i32_0 : i32, i32
  }
  func.func @transform_2(%arg0: i32) -> (i32, i32, i32) {
    %c0_i32 = arith.constant 0 : i32
    %c0_i32_0 = arith.constant 0 : i32
    %c0_i32_1 = arith.constant 0 : i32
    return %arg0, %c0_i32, %c0_i32_0 : i32, i32, i32
  }
  func.func @transform_3(%arg0: i32) -> (i32, i32, i32) {
    %c0_i32 = arith.constant 0 : i32
    %c0_i32_0 = arith.constant 0 : i32
    %c0_i32_1 = arith.constant 0 : i32
    return %arg0, %c0_i32, %c0_i32_0 : i32, i32, i32
  }
  func.func @transform_4(%arg0: i32) -> (i32, i32) {
    %c0_i32 = arith.constant 0 : i32
    %c0_i32_0 = arith.constant 0 : i32
    %c0_i32_1 = arith.constant 0 : i32
    return %c0_i32, %c0_i32_0 : i32, i32
  }
  func.func @transform_5(%arg0: i32) -> (i32, i32) {
    %c0_i32 = arith.constant 0 : i32
    %c0_i32_0 = arith.constant 0 : i32
    %c0_i32_1 = arith.constant 0 : i32
    return %c0_i32, %c0_i32_0 : i32, i32
  }
  func.func @transform_6(%arg0: i32) -> (i32, i32) {
    %c0_i32 = arith.constant 0 : i32
    %c0_i32_0 = arith.constant 0 : i32
    %c0_i32_1 = arith.constant 0 : i32
    return %c0_i32, %c0_i32_0 : i32, i32
  }
  func.func @transform_7(%arg0: i32) -> (i32, i32, i32) {
    %c0_i32 = arith.constant 0 : i32
    %c0_i32_0 = arith.constant 0 : i32
    %c0_i32_1 = arith.constant 0 : i32
    return %c0_i32, %arg0, %c0_i32_0 : i32, i32, i32
  }
  func.func @transform_8(%arg0: i32) -> (i32, i32) {
    %c0_i32 = arith.constant 0 : i32
    %c0_i32_0 = arith.constant 0 : i32
    return %arg0, %c0_i32 : i32, i32
  }
  func.func @transform_9(%arg0: i32) -> (i32, i32, i32) {
    %c0_i32 = arith.constant 0 : i32
    %c0_i32_0 = arith.constant 0 : i32
    %c0_i32_1 = arith.constant 0 : i32
    return %arg0, %c0_i32, %c0_i32_0 : i32, i32, i32
  }
}

module attributes {stable_mosaic.version = 14 : i64} {
  func.func @_mm1_body(%arg0: i32, %arg1: memref<1000x128xf32, #tpu.memory_space<vmem>>, %arg2: memref<1000x128xf32, #tpu.memory_space<vmem>>, %arg3: memref<1000x128xf32, #tpu.memory_space<vmem>>, %arg4: memref<128x2048xf32, #tpu.memory_space<vmem>>, %arg5: memref<128x128xf32, #tpu.memory_space<vmem>>, %arg6: memref<1x128xf32, #tpu.memory_space<vmem>>, %arg7: memref<16x1000x128xf32, #tpu.memory_space<vmem>>, %arg8: memref<1000x128xf32, #tpu.memory_space<vmem>>) attributes {dimension_semantics = [#tpu.dimension_semantics<arbitrary>], iteration_bounds = array<i64: 10>, scalar_prefetch = 0 : i64, scratch_operands = 0 : i64, tpu.core_type = #tpu.core_type<tc>, window_params = [{transform_indices = @transform_0, window_bounds = array<i64: 1000, 128>}, {transform_indices = @transform_1, window_bounds = array<i64: 1000, 128>}, {transform_indices = @transform_2, window_bounds = array<i64: 1000, 128>}, {pipeline_mode = #tpu.pipeline_mode<synchronous>, transform_indices = @transform_3, window_bounds = array<i64: 128, 2048>}, {pipeline_mode = #tpu.pipeline_mode<synchronous>, transform_indices = @transform_4, window_bounds = array<i64: 128, 128>}, {pipeline_mode = #tpu.pipeline_mode<synchronous>, transform_indices = @transform_5, window_bounds = array<i64: 1, 128>}, {transform_indices = @transform_6, window_bounds = array<i64: 16, 1000, 128>}, {transform_indices = @transform_7, window_bounds = array<i64: 1000, 128>}]} {
    %get3A = arith.constant 0 : index
    %get3A_0 = arith.constant 0 : index
    %get3A_1 = vector.load %arg1[%get3A, %get3A_0] : memref<1000x128xf32, #tpu.memory_space<vmem>>, vector<1000x128xf32>
    %get3A_2 = arith.constant 0 : index
    %get3A_3 = arith.constant 0 : index
    %get3A_4 = vector.load %arg2[%get3A_2, %get3A_3] : memref<1000x128xf32, #tpu.memory_space<vmem>>, vector<1000x128xf32>
    %add3A = arith.addf %get3A_1, %get3A_4 : vector<1000x128xf32>
    %get3A_5 = arith.constant 0 : index
    %get3A_6 = arith.constant 0 : index
    %get3A_7 = vector.load %arg3[%get3A_5, %get3A_6] : memref<1000x128xf32, #tpu.memory_space<vmem>>, vector<1000x128xf32>
    %add3A_8 = arith.addf %add3A, %get3A_7 : vector<1000x128xf32>
    %ge3A = arith.constant 0.000000e+00 : f32
    %ge3A_9 = vector.broadcast %ge3A : f32 to vector<1000x128xf32>
    %ge3A_10 = arith.cmpf oge, %add3A_8, %ge3A_9 : vector<1000x128xf32>
    %mul3A = arith.constant 0.00999999977 : f32
    %mul3A_11 = vector.broadcast %mul3A : f32 to vector<1000x128xf32>
    %mul3A_12 = arith.mulf %mul3A_11, %add3A_8 : vector<1000x128xf32>
    %select_n3A = arith.select %ge3A_10, %add3A_8, %mul3A_12 : vector<1000x128xi1>, vector<1000x128xf32>
    %get3A_13 = arith.constant 0 : index
    %get3A_14 = arith.constant 0 : index
    %get3A_15 = vector.load %arg4[%get3A_13, %get3A_14] : memref<128x2048xf32, #tpu.memory_space<vmem>>, vector<128x2048xf32>
    %dot_general3A = arith.constant dense<0.000000e+00> : vector<1000x2048xf32>
    %dot_general3A_16 = tpu.matmul %select_n3A, %get3A_15, %dot_general3A {dimension_numbers = #tpu.dot_dimension_numbers<[1], [0], [0], [1], [0, 0, 1, 1], [], []>, transpose_lhs_hint = false} : vector<1000x128xf32>, vector<128x2048xf32>, vector<1000x2048xf32> -> vector<1000x2048xf32>
    %slice3A = vector.extract_strided_slice %dot_general3A_16 {offsets = [0, 0], sizes = [1000, 128], strides = [1, 1]} : vector<1000x2048xf32> to vector<1000x128xf32>
    %swap3A = arith.constant 0 : index
    %swap3A_17 = arith.constant 0 : index
    %swap3A_18 = arith.constant 0 : index
    %swap3A_19 = vector.load %arg7[%swap3A, %swap3A_17, %swap3A_18] : memref<16x1000x128xf32, #tpu.memory_space<vmem>>, vector<1x1000x128xf32>
    %swap3A_20 = vector.shape_cast %swap3A_19 : vector<1x1000x128xf32> to vector<1000x128xf32>
    %swap3A_21 = vector.shape_cast %slice3A : vector<1000x128xf32> to vector<1x1000x128xf32>
    tpu.vector_store %arg7[%swap3A, %swap3A_17, %swap3A_18], %swap3A_21 {strides = array<i32>} : memref<16x1000x128xf32, #tpu.memory_space<vmem>>, vector<1x1000x128xf32>,
    %slice3A_22 = vector.extract_strided_slice %dot_general3A_16 {offsets = [0, 128], sizes = [1000, 128], strides = [1, 1]} : vector<1000x2048xf32> to vector<1000x128xf32>
    %swap3A_23 = arith.constant 1 : index
    %swap3A_24 = arith.constant 0 : index
    %swap3A_25 = arith.constant 0 : index
    %swap3A_26 = vector.load %arg7[%swap3A_23, %swap3A_24, %swap3A_25] : memref<16x1000x128xf32, #tpu.memory_space<vmem>>, vector<1x1000x128xf32>
    %swap3A_27 = vector.shape_cast %swap3A_26 : vector<1x1000x128xf32> to vector<1000x128xf32>
    %swap3A_28 = vector.shape_cast %slice3A_22 : vector<1000x128xf32> to vector<1x1000x128xf32>
    tpu.vector_store %arg7[%swap3A_23, %swap3A_24, %swap3A_25], %swap3A_28 {strides = array<i32>} : memref<16x1000x128xf32, #tpu.memory_space<vmem>>, vector<1x1000x128xf32>,
    %slice3A_29 = vector.extract_strided_slice %dot_general3A_16 {offsets = [0, 256], sizes = [1000, 128], strides = [1, 1]} : vector<1000x2048xf32> to vector<1000x128xf32>
    %swap3A_30 = arith.constant 2 : index
    %swap3A_31 = arith.constant 0 : index
    %swap3A_32 = arith.constant 0 : index
    %swap3A_33 = vector.load %arg7[%swap3A_30, %swap3A_31, %swap3A_32] : memref<16x1000x128xf32, #tpu.memory_space<vmem>>, vector<1x1000x128xf32>
    %swap3A_34 = vector.shape_cast %swap3A_33 : vector<1x1000x128xf32> to vector<1000x128xf32>
    %swap3A_35 = vector.shape_cast %slice3A_29 : vector<1000x128xf32> to vector<1x1000x128xf32>
    tpu.vector_store %arg7[%swap3A_30, %swap3A_31, %swap3A_32], %swap3A_35 {strides = array<i32>} : memref<16x1000x128xf32, #tpu.memory_space<vmem>>, vector<1x1000x128xf32>,
    %slice3A_36 = vector.extract_strided_slice %dot_general3A_16 {offsets = [0, 384], sizes = [1000, 128], strides = [1, 1]} : vector<1000x2048xf32> to vector<1000x128xf32>
    %swap3A_37 = arith.constant 3 : index
    %swap3A_38 = arith.constant 0 : index
    %swap3A_39 = arith.constant 0 : index
    %swap3A_40 = vector.load %arg7[%swap3A_37, %swap3A_38, %swap3A_39] : memref<16x1000x128xf32, #tpu.memory_space<vmem>>, vector<1x1000x128xf32>
    %swap3A_41 = vector.shape_cast %swap3A_40 : vector<1x1000x128xf32> to vector<1000x128xf32>
    %swap3A_42 = vector.shape_cast %slice3A_36 : vector<1000x128xf32> to vector<1x1000x128xf32>
    tpu.vector_store %arg7[%swap3A_37, %swap3A_38, %swap3A_39], %swap3A_42 {strides = array<i32>} : memref<16x1000x128xf32, #tpu.memory_space<vmem>>, vector<1x1000x128xf32>,
    %slice3A_43 = vector.extract_strided_slice %dot_general3A_16 {offsets = [0, 512], sizes = [1000, 128], strides = [1, 1]} : vector<1000x2048xf32> to vector<1000x128xf32>
    %swap3A_44 = arith.constant 4 : index
    %swap3A_45 = arith.constant 0 : index
    %swap3A_46 = arith.constant 0 : index
    %swap3A_47 = vector.load %arg7[%swap3A_44, %swap3A_45, %swap3A_46] : memref<16x1000x128xf32, #tpu.memory_space<vmem>>, vector<1x1000x128xf32>
    %swap3A_48 = vector.shape_cast %swap3A_47 : vector<1x1000x128xf32> to vector<1000x128xf32>
    %swap3A_49 = vector.shape_cast %slice3A_43 : vector<1000x128xf32> to vector<1x1000x128xf32>
    tpu.vector_store %arg7[%swap3A_44, %swap3A_45, %swap3A_46], %swap3A_49 {strides = array<i32>} : memref<16x1000x128xf32, #tpu.memory_space<vmem>>, vector<1x1000x128xf32>,
    %slice3A_50 = vector.extract_strided_slice %dot_general3A_16 {offsets = [0, 640], sizes = [1000, 128], strides = [1, 1]} : vector<1000x2048xf32> to vector<1000x128xf32>
    %swap3A_51 = arith.constant 5 : index
    %swap3A_52 = arith.constant 0 : index
    %swap3A_53 = arith.constant 0 : index
    %swap3A_54 = vector.load %arg7[%swap3A_51, %swap3A_52, %swap3A_53] : memref<16x1000x128xf32, #tpu.memory_space<vmem>>, vector<1x1000x128xf32>
    %swap3A_55 = vector.shape_cast %swap3A_54 : vector<1x1000x128xf32> to vector<1000x128xf32>
    %swap3A_56 = vector.shape_cast %slice3A_50 : vector<1000x128xf32> to vector<1x1000x128xf32>
    tpu.vector_store %arg7[%swap3A_51, %swap3A_52, %swap3A_53], %swap3A_56 {strides = array<i32>} : memref<16x1000x128xf32, #tpu.memory_space<vmem>>, vector<1x1000x128xf32>,
    %slice3A_57 = vector.extract_strided_slice %dot_general3A_16 {offsets = [0, 768], sizes = [1000, 128], strides = [1, 1]} : vector<1000x2048xf32> to vector<1000x128xf32>
    %swap3A_58 = arith.constant 6 : index
    %swap3A_59 = arith.constant 0 : index
    %swap3A_60 = arith.constant 0 : index
    %swap3A_61 = vector.load %arg7[%swap3A_58, %swap3A_59, %swap3A_60] : memref<16x1000x128xf32, #tpu.memory_space<vmem>>, vector<1x1000x128xf32>
    %swap3A_62 = vector.shape_cast %swap3A_61 : vector<1x1000x128xf32> to vector<1000x128xf32>
    %swap3A_63 = vector.shape_cast %slice3A_57 : vector<1000x128xf32> to vector<1x1000x128xf32>
    tpu.vector_store %arg7[%swap3A_58, %swap3A_59, %swap3A_60], %swap3A_63 {strides = array<i32>} : memref<16x1000x128xf32, #tpu.memory_space<vmem>>, vector<1x1000x128xf32>,
    %slice3A_64 = vector.extract_strided_slice %dot_general3A_16 {offsets = [0, 896], sizes = [1000, 128], strides = [1, 1]} : vector<1000x2048xf32> to vector<1000x128xf32>
    %swap3A_65 = arith.constant 7 : index
    %swap3A_66 = arith.constant 0 : index
    %swap3A_67 = arith.constant 0 : index
    %swap3A_68 = vector.load %arg7[%swap3A_65, %swap3A_66, %swap3A_67] : memref<16x1000x128xf32, #tpu.memory_space<vmem>>, vector<1x1000x128xf32>
    %swap3A_69 = vector.shape_cast %swap3A_68 : vector<1x1000x128xf32> to vector<1000x128xf32>
    %swap3A_70 = vector.shape_cast %slice3A_64 : vector<1000x128xf32> to vector<1x1000x128xf32>
    tpu.vector_store %arg7[%swap3A_65, %swap3A_66, %swap3A_67], %swap3A_70 {strides = array<i32>} : memref<16x1000x128xf32, #tpu.memory_space<vmem>>, vector<1x1000x128xf32>,
    %slice3A_71 = vector.extract_strided_slice %dot_general3A_16 {offsets = [0, 1024], sizes = [1000, 128], strides = [1, 1]} : vector<1000x2048xf32> to vector<1000x128xf32>
    %swap3A_72 = arith.constant 8 : index
    %swap3A_73 = arith.constant 0 : index
    %swap3A_74 = arith.constant 0 : index
    %swap3A_75 = vector.load %arg7[%swap3A_72, %swap3A_73, %swap3A_74] : memref<16x1000x128xf32, #tpu.memory_space<vmem>>, vector<1x1000x128xf32>
    %swap3A_76 = vector.shape_cast %swap3A_75 : vector<1x1000x128xf32> to vector<1000x128xf32>
    %swap3A_77 = vector.shape_cast %slice3A_71 : vector<1000x128xf32> to vector<1x1000x128xf32>
    tpu.vector_store %arg7[%swap3A_72, %swap3A_73, %swap3A_74], %swap3A_77 {strides = array<i32>} : memref<16x1000x128xf32, #tpu.memory_space<vmem>>, vector<1x1000x128xf32>,
    %slice3A_78 = vector.extract_strided_slice %dot_general3A_16 {offsets = [0, 1152], sizes = [1000, 128], strides = [1, 1]} : vector<1000x2048xf32> to vector<1000x128xf32>
    %swap3A_79 = arith.constant 9 : index
    %swap3A_80 = arith.constant 0 : index
    %swap3A_81 = arith.constant 0 : index
    %swap3A_82 = vector.load %arg7[%swap3A_79, %swap3A_80, %swap3A_81] : memref<16x1000x128xf32, #tpu.memory_space<vmem>>, vector<1x1000x128xf32>
    %swap3A_83 = vector.shape_cast %swap3A_82 : vector<1x1000x128xf32> to vector<1000x128xf32>
    %swap3A_84 = vector.shape_cast %slice3A_78 : vector<1000x128xf32> to vector<1x1000x128xf32>
    tpu.vector_store %arg7[%swap3A_79, %swap3A_80, %swap3A_81], %swap3A_84 {strides = array<i32>} : memref<16x1000x128xf32, #tpu.memory_space<vmem>>, vector<1x1000x128xf32>,
    %slice3A_85 = vector.extract_strided_slice %dot_general3A_16 {offsets = [0, 1280], sizes = [1000, 128], strides = [1, 1]} : vector<1000x2048xf32> to vector<1000x128xf32>
    %swap3A_86 = arith.constant 10 : index
    %swap3A_87 = arith.constant 0 : index
    %swap3A_88 = arith.constant 0 : index
    %swap3A_89 = vector.load %arg7[%swap3A_86, %swap3A_87, %swap3A_88] : memref<16x1000x128xf32, #tpu.memory_space<vmem>>, vector<1x1000x128xf32>
    %swap3A_90 = vector.shape_cast %swap3A_89 : vector<1x1000x128xf32> to vector<1000x128xf32>
    %swap3A_91 = vector.shape_cast %slice3A_85 : vector<1000x128xf32> to vector<1x1000x128xf32>
    tpu.vector_store %arg7[%swap3A_86, %swap3A_87, %swap3A_88], %swap3A_91 {strides = array<i32>} : memref<16x1000x128xf32, #tpu.memory_space<vmem>>, vector<1x1000x128xf32>,
    %slice3A_92 = vector.extract_strided_slice %dot_general3A_16 {offsets = [0, 1408], sizes = [1000, 128], strides = [1, 1]} : vector<1000x2048xf32> to vector<1000x128xf32>
    %swap3A_93 = arith.constant 11 : index
    %swap3A_94 = arith.constant 0 : index
    %swap3A_95 = arith.constant 0 : index
    %swap3A_96 = vector.load %arg7[%swap3A_93, %swap3A_94, %swap3A_95] : memref<16x1000x128xf32, #tpu.memory_space<vmem>>, vector<1x1000x128xf32>
    %swap3A_97 = vector.shape_cast %swap3A_96 : vector<1x1000x128xf32> to vector<1000x128xf32>
    %swap3A_98 = vector.shape_cast %slice3A_92 : vector<1000x128xf32> to vector<1x1000x128xf32>
    tpu.vector_store %arg7[%swap3A_93, %swap3A_94, %swap3A_95], %swap3A_98 {strides = array<i32>} : memref<16x1000x128xf32, #tpu.memory_space<vmem>>, vector<1x1000x128xf32>,
    %slice3A_99 = vector.extract_strided_slice %dot_general3A_16 {offsets = [0, 1536], sizes = [1000, 128], strides = [1, 1]} : vector<1000x2048xf32> to vector<1000x128xf32>
    %swap3A_100 = arith.constant 12 : index
    %swap3A_101 = arith.constant 0 : index
    %swap3A_102 = arith.constant 0 : index
    %swap3A_103 = vector.load %arg7[%swap3A_100, %swap3A_101, %swap3A_102] : memref<16x1000x128xf32, #tpu.memory_space<vmem>>, vector<1x1000x128xf32>
    %swap3A_104 = vector.shape_cast %swap3A_103 : vector<1x1000x128xf32> to vector<1000x128xf32>
    %swap3A_105 = vector.shape_cast %slice3A_99 : vector<1000x128xf32> to vector<1x1000x128xf32>
    tpu.vector_store %arg7[%swap3A_100, %swap3A_101, %swap3A_102], %swap3A_105 {strides = array<i32>} : memref<16x1000x128xf32, #tpu.memory_space<vmem>>, vector<1x1000x128xf32>,
    %slice3A_106 = vector.extract_strided_slice %dot_general3A_16 {offsets = [0, 1664], sizes = [1000, 128], strides = [1, 1]} : vector<1000x2048xf32> to vector<1000x128xf32>
    %swap3A_107 = arith.constant 13 : index
    %swap3A_108 = arith.constant 0 : index
    %swap3A_109 = arith.constant 0 : index
    %swap3A_110 = vector.load %arg7[%swap3A_107, %swap3A_108, %swap3A_109] : memref<16x1000x128xf32, #tpu.memory_space<vmem>>, vector<1x1000x128xf32>
    %swap3A_111 = vector.shape_cast %swap3A_110 : vector<1x1000x128xf32> to vector<1000x128xf32>
    %swap3A_112 = vector.shape_cast %slice3A_106 : vector<1000x128xf32> to vector<1x1000x128xf32>
    tpu.vector_store %arg7[%swap3A_107, %swap3A_108, %swap3A_109], %swap3A_112 {strides = array<i32>} : memref<16x1000x128xf32, #tpu.memory_space<vmem>>, vector<1x1000x128xf32>,
    %slice3A_113 = vector.extract_strided_slice %dot_general3A_16 {offsets = [0, 1792], sizes = [1000, 128], strides = [1, 1]} : vector<1000x2048xf32> to vector<1000x128xf32>
    %swap3A_114 = arith.constant 14 : index
    %swap3A_115 = arith.constant 0 : index
    %swap3A_116 = arith.constant 0 : index
    %swap3A_117 = vector.load %arg7[%swap3A_114, %swap3A_115, %swap3A_116] : memref<16x1000x128xf32, #tpu.memory_space<vmem>>, vector<1x1000x128xf32>
    %swap3A_118 = vector.shape_cast %swap3A_117 : vector<1x1000x128xf32> to vector<1000x128xf32>
    %swap3A_119 = vector.shape_cast %slice3A_113 : vector<1000x128xf32> to vector<1x1000x128xf32>
    tpu.vector_store %arg7[%swap3A_114, %swap3A_115, %swap3A_116], %swap3A_119 {strides = array<i32>} : memref<16x1000x128xf32, #tpu.memory_space<vmem>>, vector<1x1000x128xf32>,
    %slice3A_120 = vector.extract_strided_slice %dot_general3A_16 {offsets = [0, 1920], sizes = [1000, 128], strides = [1, 1]} : vector<1000x2048xf32> to vector<1000x128xf32>
    %swap3A_121 = arith.constant 15 : index
    %swap3A_122 = arith.constant 0 : index
    %swap3A_123 = arith.constant 0 : index
    %swap3A_124 = vector.load %arg7[%swap3A_121, %swap3A_122, %swap3A_123] : memref<16x1000x128xf32, #tpu.memory_space<vmem>>, vector<1x1000x128xf32>
    %swap3A_125 = vector.shape_cast %swap3A_124 : vector<1x1000x128xf32> to vector<1000x128xf32>
    %swap3A_126 = vector.shape_cast %slice3A_120 : vector<1000x128xf32> to vector<1x1000x128xf32>
    tpu.vector_store %arg7[%swap3A_121, %swap3A_122, %swap3A_123], %swap3A_126 {strides = array<i32>} : memref<16x1000x128xf32, #tpu.memory_space<vmem>>, vector<1x1000x128xf32>,
    %get3A_127 = arith.constant 0 : index
    %get3A_128 = arith.constant 0 : index
    %get3A_129 = vector.load %arg5[%get3A_127, %get3A_128] : memref<128x128xf32, #tpu.memory_space<vmem>>, vector<128x128xf32>
    %dot_general3A_130 = arith.constant dense<0.000000e+00> : vector<1000x128xf32>
    %dot_general3A_131 = tpu.matmul %select_n3A, %get3A_129, %dot_general3A_130 {dimension_numbers = #tpu.dot_dimension_numbers<[1], [0], [0], [1], [0, 0, 1, 1], [], []>, transpose_lhs_hint = false} : vector<1000x128xf32>, vector<128x128xf32>, vector<1000x128xf32> -> vector<1000x128xf32>
    %get3A_132 = arith.constant 0 : index
    %get3A_133 = arith.constant 0 : index
    %get3A_134 = vector.load %arg6[%get3A_132, %get3A_133] : memref<1x128xf32, #tpu.memory_space<vmem>>, vector<1x128xf32>
    %add3A_135 = vector.broadcast %get3A_134 : vector<1x128xf32> to vector<1000x128xf32>
    %add3A_136 = arith.addf %dot_general3A_131, %add3A_135 : vector<1000x128xf32>
    %swap3A_137 = arith.constant 0 : index
    %swap3A_138 = arith.constant 0 : index
    %swap3A_139 = vector.load %arg8[%swap3A_137, %swap3A_138] : memref<1000x128xf32, #tpu.memory_space<vmem>>, vector<1000x128xf32>
    tpu.vector_store %arg8[%swap3A_137, %swap3A_138], %add3A_136 {strides = array<i32>} : memref<1000x128xf32, #tpu.memory_space<vmem>>, vector<1000x128xf32>,
    return
  }
  func.func @transform_0(%arg0: i32) -> (i32, i32) {
    %c0_i32 = arith.constant 0 : i32
    %c0_i32_0 = arith.constant 0 : i32
    return %arg0, %c0_i32 : i32, i32
  }
  func.func @transform_1(%arg0: i32) -> (i32, i32) {
    %c0_i32 = arith.constant 0 : i32
    %c0_i32_0 = arith.constant 0 : i32
    return %arg0, %c0_i32 : i32, i32
  }
  func.func @transform_2(%arg0: i32) -> (i32, i32) {
    %c0_i32 = arith.constant 0 : i32
    %c0_i32_0 = arith.constant 0 : i32
    return %arg0, %c0_i32 : i32, i32
  }
  func.func @transform_3(%arg0: i32) -> (i32, i32) {
    %c0_i32 = arith.constant 0 : i32
    %c0_i32_0 = arith.constant 0 : i32
    %c0_i32_1 = arith.constant 0 : i32
    return %c0_i32, %c0_i32_0 : i32, i32
  }
  func.func @transform_4(%arg0: i32) -> (i32, i32) {
    %c0_i32 = arith.constant 0 : i32
    %c0_i32_0 = arith.constant 0 : i32
    %c0_i32_1 = arith.constant 0 : i32
    return %c0_i32, %c0_i32_0 : i32, i32
  }
  func.func @transform_5(%arg0: i32) -> (i32, i32) {
    %c0_i32 = arith.constant 0 : i32
    %c0_i32_0 = arith.constant 0 : i32
    %c0_i32_1 = arith.constant 0 : i32
    return %c0_i32, %c0_i32_0 : i32, i32
  }
  func.func @transform_6(%arg0: i32) -> (i32, i32, i32) {
    %c0_i32 = arith.constant 0 : i32
    %c0_i32_0 = arith.constant 0 : i32
    %c0_i32_1 = arith.constant 0 : i32
    return %c0_i32, %arg0, %c0_i32_0 : i32, i32, i32
  }
  func.func @transform_7(%arg0: i32) -> (i32, i32) {
    %c0_i32 = arith.constant 0 : i32
    %c0_i32_0 = arith.constant 0 : i32
    return %arg0, %c0_i32 : i32, i32
  }
}

module attributes {stable_mosaic.version = 14 : i64} {
  func.func @_fin_body(%arg0: i32, %arg1: memref<1000x128xf32, #tpu.memory_space<vmem>>, %arg2: memref<1000x128xf32, #tpu.memory_space<vmem>>, %arg3: memref<1000x128xf32, #tpu.memory_space<vmem>>, %arg4: memref<1000x128xf32, #tpu.memory_space<vmem>>) attributes {dimension_semantics = [#tpu.dimension_semantics<arbitrary>], iteration_bounds = array<i64: 10>, scalar_prefetch = 0 : i64, scratch_operands = 0 : i64, tpu.core_type = #tpu.core_type<tc>, window_params = [{transform_indices = @transform_0, window_bounds = array<i64: 1000, 128>}, {transform_indices = @transform_1, window_bounds = array<i64: 1000, 128>}, {transform_indices = @transform_2, window_bounds = array<i64: 1000, 128>}, {transform_indices = @transform_3, window_bounds = array<i64: 1000, 128>}]} {
    %get3A = arith.constant 0 : index
    %get3A_0 = arith.constant 0 : index
    %get3A_1 = vector.load %arg1[%get3A, %get3A_0] : memref<1000x128xf32, #tpu.memory_space<vmem>>, vector<1000x128xf32>
    %get3A_2 = arith.constant 0 : index
    %get3A_3 = arith.constant 0 : index
    %get3A_4 = vector.load %arg2[%get3A_2, %get3A_3] : memref<1000x128xf32, #tpu.memory_space<vmem>>, vector<1000x128xf32>
    %add3A = arith.addf %get3A_1, %get3A_4 : vector<1000x128xf32>
    %get3A_5 = arith.constant 0 : index
    %get3A_6 = arith.constant 0 : index
    %get3A_7 = vector.load %arg3[%get3A_5, %get3A_6] : memref<1000x128xf32, #tpu.memory_space<vmem>>, vector<1000x128xf32>
    %add3A_8 = arith.addf %add3A, %get3A_7 : vector<1000x128xf32>
    %ge3A = arith.constant 0.000000e+00 : f32
    %ge3A_9 = vector.broadcast %ge3A : f32 to vector<1000x128xf32>
    %ge3A_10 = arith.cmpf oge, %add3A_8, %ge3A_9 : vector<1000x128xf32>
    %mul3A = arith.constant 0.00999999977 : f32
    %mul3A_11 = vector.broadcast %mul3A : f32 to vector<1000x128xf32>
    %mul3A_12 = arith.mulf %mul3A_11, %add3A_8 : vector<1000x128xf32>
    %select_n3A = arith.select %ge3A_10, %add3A_8, %mul3A_12 : vector<1000x128xi1>, vector<1000x128xf32>
    %swap3A = arith.constant 0 : index
    %swap3A_13 = arith.constant 0 : index
    %swap3A_14 = vector.load %arg4[%swap3A, %swap3A_13] : memref<1000x128xf32, #tpu.memory_space<vmem>>, vector<1000x128xf32>
    tpu.vector_store %arg4[%swap3A, %swap3A_13], %select_n3A {strides = array<i32>} : memref<1000x128xf32, #tpu.memory_space<vmem>>, vector<1000x128xf32>,
    return
  }
  func.func @transform_0(%arg0: i32) -> (i32, i32) {
    %c0_i32 = arith.constant 0 : i32
    %c0_i32_0 = arith.constant 0 : i32
    return %arg0, %c0_i32 : i32, i32
  }
  func.func @transform_1(%arg0: i32) -> (i32, i32) {
    %c0_i32 = arith.constant 0 : i32
    %c0_i32_0 = arith.constant 0 : i32
    return %arg0, %c0_i32 : i32, i32
  }
  func.func @transform_2(%arg0: i32) -> (i32, i32) {
    %c0_i32 = arith.constant 0 : i32
    %c0_i32_0 = arith.constant 0 : i32
    return %arg0, %c0_i32 : i32, i32
  }
  func.func @transform_3(%arg0: i32) -> (i32, i32) {
    %c0_i32 = arith.constant 0 : i32
    %c0_i32_0 = arith.constant 0 : i32
    return %arg0, %c0_i32 : i32, i32
  }
}

</mosaic_0001>

<sc_bundles>
// kernel: kernel.12.cloned.1.call-start
scs
__scs_entry_jumppad:
0x0: {  	(pc) =	sbr.rel $0x88, $3  }
0x1: {  	(tag) =	ssettag $0x0;
	lr =	simm.s32 $0x1  }
0x2: {  	[smem:$0x3F9A] =	sst lr;
	_ =	strace $0xD0000000  }
0x3: {  	_ = 	snop  }
0x4: {  	_ = 	snop  }
0x5: {  	_ = 	snop  }
0x6: {  	_ = 	snop  }
0x7: {  	_ = 	snop  }
__scs_overlays_trampoline_lowered:
0x8: {  	[smem:$0x3FA9] =	sst s0  }
0x9: {  	[smem:$0x3FAA] =	sst s1  }
0xa: {  	[smem:$0x3FAB] =	sst s2  }
0xb: {  	[smem:$0x3FAC] =	sst s3  }
0xc: {  	[smem:$0x3FAD] =	sst s4  }
0xd: {  	[smem:$0x3FAE] =	sst s5  }
0xe: {  	[smem:$0x3FAF] =	sst s6  }
0xf: {  	[smem:$0x3FB0] =	sst s7  }
0x10: {  	[smem:$0x3FB1] =	sst s8  }
0x11: {  	[smem:$0x3FB2] =	sst s9;
	s0 =	simm.s32 @!p0 $0x0  }
0x12: {  	s1 =	sld [smem:$0x3F98];
	s0 =	simm.s32 @p0 $0x1  }
0x13: {  	[smem:$0x3FB3] =	sst s0;
	s0 =	simm.s32 @!p1 $0x0  }
0x14: {  	s2 =	sld [smem:$0x3F97];
	s0 =	simm.s32 @p1 $0x1  }
0x15: {  	[smem:$0x3FB4] =	sst s0;
	s0 =	simm.s32 @!p2 $0x0  }
0x16: {  	s3 =	sld [smem:$0x3FDB];
	s0 =	simm.s32 @p2 $0x1  }
0x17: {  	s4 =	simm.s32 $0x1BF5;
	[smem:$0x3FB6] =	sst s0  }
0x18: {  	s0 =	sld [smem:$0x3F99];
	_ =	swait.ge [sflag:s4], $0x0  }
0x19: {  	s7 =	sld [smem:$0x3F9A]  }
0x1a: {  	s8 =	sadd.s32 $0xFFFFE003, lr  }
0x1b: {  	s9 =	sadd.s32 $0xFFFFFEF7, lr;
	s5 =	simm.s32 $0xFFFFFFFF;
	p2 =	slt.u32 s8, $0xFFFFF086  }
0x1c: {  	p1 =	slt.u32 s9, $0xF7A;
	s5 =	simm.s32 @!p2 $0x0  }
0x1d: {  	s5 =	simm.s32 @p1 $0x1;
	p0 =	seq.s32 s7, s2  }
0x1e: {  	s7 =	smul.u32 @!p0 $0xF7A, s2;
	p2 =	seq.s32 @!p0 s5, $0x0  }
0x1f: {  	s9 =	smul.u32 $0xF7A, s1;
	s8 =	simm.s32 @!p0 $0x1BF5;
	p2 =	por !p2, p0  }
0x20: {  	[sflag:s8] =	ssyncset.s32 @!p0 $0xFFFFF086;
	s6 =	sadd.s32 @!p0 s3, s7;
	s7 =	simm.s32 @!p0 $0x108  }
0x21: {  	s3 =	sadd.s32 s3, s9;
	s6 =	sadd.s32 @!p0 $0x88, s6;
	s7 =	simm.s32 @p2 $0x1082  }
0x22: {  	[simem:s7], [sflag:s8] =	dma.local @!p0 [hbm:s6], $0xF7A  }
0x23: {  	s9 =	sor.u32 $0xD0000000, s2;
	s6 =	simm.s32 $0x108;
	_ =	swait.ge @!p0 [sflag:s8], $0x0  }
0x24: {  	s3 =	sadd.s32 $0x88, s3;
	s6 =	simm.s32 @!p1 $0x1082;
	[sflag:s4] =	ssyncset.s32 $0xFFFFF086  }
0x25: {  	[simem:s6], [sflag:s4] =	dma.local [hbm:s3], $0xF7A  }
0x26: {  	[smem:$0x3F9A] =	sst s1;
	(tag) =	ssettag s2;
	_ =	strace s9  }
0x27: {  	s1 =	sld [smem:$0x3FAA]  }
0x28: {  	s2 =	sld [smem:$0x3FAB]  }
0x29: {  	s4 =	sld [smem:$0x3FAD]  }
0x2a: {  	p0 =	seq.s32 s5, $0x0;
	s5 =	sld [smem:$0x3FAE]  }
0x2b: {  	s6 =	sld [smem:$0x3FAF]  }
0x2c: {  	s7 =	sld [smem:$0x3FB0]  }
0x2d: {  	s3 =	simm.s32 $0x108;
	s8 =	sld [smem:$0x3FB1]  }
0x2e: {  	s3 =	simm.s32 @!p0 $0x1082;
	s9 =	sld [smem:$0x3FB2]  }
0x2f: {  	lr =	sadd.s32 s0, s3;
	s0 =	sld [smem:$0x3FA9]  }
0x30: {  	s3 =	sld [smem:$0x3FAC]  }
0x31: {  	[smem:$0x3FB5] =	sst s10  }
0x32: {  	s10 =	sld [smem:$0x3FB3];
	_ =	sdelay $0x3  }
0x33: {  	p0 =	seq.s32 s10, $0x1;
	s10 =	sld [smem:$0x3FB5];
	_ =	sdelay $0x3  }
0x34: {  	[smem:$0x3FB5] =	sst s10  }
0x35: {  	s10 =	sld [smem:$0x3FB4];
	_ =	sdelay $0x3  }
0x36: {  	p1 =	seq.s32 s10, $0x1;
	s10 =	sld [smem:$0x3FB5];
	_ =	sdelay $0x3  }
0x37: {  	[smem:$0x3FB5] =	sst s10  }
0x38: {  	s10 =	sld [smem:$0x3FB6]  }
0x39: {  	_ = 	snop;
	(pc) =	sbr.ind lr, $3  }
0x3a: {  	_ = 	snop  }
0x3b: {  	_ = 	snop  }
0x3c: {  	p2 =	seq.s32 s10, $0x1;
	s10 =	sld [smem:$0x3FB5]  }
0x3d: {  	_ =	shalt  }
0x3e: {  	_ =	shalt  }
0x3f: {  	_ =	shalt  }
0x40: {  	_ =	shalt  }
0x41: {  	_ =	shalt  }
0x42: {  	_ =	shalt  }
0x43: {  	_ =	shalt  }
0x44: {  	_ =	shalt  }
0x45: {  	_ =	shalt  }
0x46: {  	_ =	shalt  }
0x47: {  	_ =	shalt  }
0x48: {  	_ =	shalt  }
0x49: {  	_ =	shalt  }
0x4a: {  	_ =	shalt  }
0x4b: {  	_ =	shalt  }
0x4c: {  	_ =	shalt  }
0x4d: {  	_ =	shalt  }
0x4e: {  	_ =	shalt  }
0x4f: {  	_ =	shalt  }
0x50: {  	_ =	shalt  }
0x51: {  	_ =	shalt  }
0x52: {  	_ =	shalt  }
0x53: {  	_ =	shalt  }
0x54: {  	_ =	shalt  }
0x55: {  	_ =	shalt  }
0x56: {  	_ =	shalt  }
0x57: {  	_ =	shalt  }
0x58: {  	_ =	shalt  }
0x59: {  	_ =	shalt  }
0x5a: {  	_ =	shalt  }
0x5b: {  	_ =	shalt  }
0x5c: {  	_ =	shalt  }
0x5d: {  	_ =	shalt  }
0x5e: {  	_ =	shalt  }
0x5f: {  	_ =	shalt  }
0x60: {  	_ =	shalt  }
0x61: {  	_ =	shalt  }
0x62: {  	_ =	shalt  }
0x63: {  	_ =	shalt  }
0x64: {  	_ =	shalt  }
0x65: {  	_ =	shalt  }
0x66: {  	_ =	shalt  }
0x67: {  	_ =	shalt  }
0x68: {  	_ =	shalt  }
0x69: {  	_ =	shalt  }
0x6a: {  	_ =	shalt  }
0x6b: {  	_ =	shalt  }
0x6c: {  	_ =	shalt  }
0x6d: {  	_ =	shalt  }
0x6e: {  	_ =	shalt  }
0x6f: {  	_ =	shalt  }
0x70: {  	_ =	shalt  }
0x71: {  	_ =	shalt  }
0x72: {  	_ =	shalt  }
0x73: {  	_ =	shalt  }
0x74: {  	_ =	shalt  }
0x75: {  	_ =	shalt  }
0x76: {  	_ =	shalt  }
0x77: {  	_ =	shalt  }
0x78: {  	_ =	shalt  }
0x79: {  	_ =	shalt  }
0x7a: {  	_ =	shalt  }
0x7b: {  	_ =	shalt  }
0x7c: {  	_ =	shalt  }
0x7d: {  	_ =	shalt  }
0x7e: {  	_ =	shalt  }
0x7f: {  	_ =	shalt  }
0x80: {  	_ =	shalt  }
0x81: {  	_ =	shalt  }
0x82: {  	_ =	shalt  }
0x83: {  	_ =	shalt  }
0x84: {  	_ =	shalt  }
0x85: {  	_ =	shalt  }
0x86: {  	_ =	shalt  }
0x87: {  	_ =	shalt  }
.Lfunc_end0:
.L_simem_size_0:
called_computation.1_lowered:
.L_overlay_start_0:
0x88: {  	s2 =	sld [smem:$0x3FD9]  }
0x89: {  	s3 =	sld [smem:$0x3FFE];
	_ =	sdelay $0x1  }
0x8a: {  	s1 =	srdreg.scid  }
0x8b: {  	s0 =	sand.u32 $0x1, s1  }
0x8c: {  	s17 =	sshll.u32 s0, $0xA;
	s2 =	sadd.s32 s3, s2  }
0x8d: {  	s2 =	sadd.s32 s2, s17  }
0x8e: {  	[smem:$0x3FC1] =	sst s2  }
0x8f: {  	_ = 	snop  }
0x90: {  	s2 =	sld [smem:$0x3FD0];
	(tm) =	ssettm $0x1  }
0x91: {  	s18 =	sld [smem:$0x3FFB];
	_ =	sdelay $0x3  }
0x92: {  	_ =	strace s18  }
0x93: {  	s3 =	sld [smem:$0x3FFC];
	_ =	sdelay $0x3  }
0x94: {  	_ =	strace s3  }
0x95: {  	s3 =	sld [smem:$0x3FFD];
	_ =	sdelay $0x3  }
0x96: {  	_ =	strace s3  }
0x97: {  	_ =	strace $0x8FFFFFFF  }
0x98: {  	s19 =	sld [smem:$0x3FDB];
	_ =	sdelay $0x1  }
0x99: {  	s4 =	simm.s32 $_scs_section_size  }
0x9a: {  	s5 =	simm.s32 $_size__tile_overlayer_lowered;
	s6 =	simm.s32 $_tile_overlayer_lowered  }
0x9b: {  	s22 =	simm.s32 $0x1BFF;
	s21 =	sshll.u32 s6, $0x1;
	s3 =	sadd.s32 s4, s19  }
0x9c: {  	s7 =	simm.s32 $0x0;
	s20 =	sshll.u32 s5, $0x1;
	s5 =	sadd.s32 s21, s3  }
0x9d: {  	[timem:s7], [sflag:s22] =	dma.local [hbm:s5], s20  }
0x9e: {  	_ =	swait.ge [sflag:s22], s20  }
0x9f: {  	s4 =	ssub.s32 $0x0, s20;
	[sflag:s22] =	ssyncset.done $0x0  }
0xa0: {  	[sflag:s22] =	ssyncadd.s32 s4;
	_ =	sdelay $0x1  }
0xa1: {  	s23 =	simm.s32 $0x1B8B  }
0xa2: {  	_ =	swait.ge [sflag:s23], $0x1  }
0xa3: {  	[sflag:s23] =	ssyncset.done $0x0  }
0xa4: {  	s25 =	simm.s32 $0x1B8E;
	s24 =	sld [smem:$0x3FFE];
	[sflag:s23] =	ssyncadd.s32 $0xFFFFFFFF  }
0xa5: {  	s26 =	simm.s32 $execute0_lowered;
	[smem:$0x3FD2] =	sst s25  }
0xa6: {  	s5 =	sshll.u32 s26, $0x1;
	_ =	strace $0x80000049;
	[dreg:$0x1] =	wrdreg $0xFFFFFFFF  }
0xa7: {  	s28 =	simm.s32 $_size_execute0_lowered;
	s3 =	sadd.s32 s3, s5;
	[dreg:$0x0] =	wrdreg $0x0  }
0xa8: {  	s5 =	sshll.u32 s28, $0x1;
	[dreg:$0x2] =	wrdreg s3  }
0xa9: {  	[dreg:$0x3] =	wrdreg s5  }
0xaa: {  	[dreg:$0x4] =	wrdreg $0xC0  }
0xab: {  	_ =	task [dreg:s7], $0x5FFFF  }
0xac: {  	[dreg:$0x1] =	wrdreg $0xFFFFFFFF  }
0xad: {  	[dreg:$0x0] =	wrdreg $0x60  }
0xae: {  	[dreg:$0x2] =	wrdreg s24  }
0xaf: {  	[dreg:$0x3] =	wrdreg s2  }
0xb0: {  	[dreg:$0x4] =	wrdreg $0xB7800  }
0xb1: {  	[dreg:$0x5] =	wrdreg $0x9  }
0xb2: {  	_ =	task.clear_ibuf [dreg:s7], $0x6FFFF;
	_ =	strace $0x90000049  }
0xb3: {  	s29 =	simm.s32 $0x9;
	_ =	strace $0x8000004B  }
0xb4: {  	_ =	swait.ge [sflag:s29], $0x1  }
0xb5: {  	[sflag:s29] =	ssyncadd.s32 $0xFFFFFFFF  }
0xb6: {  	_ =	strace $0x9000004B  }
0xb7: {  	_ =	sfence  }
0xb8: {  	s30 =	sld [smem:$0x0];
	_ =	sdelay $0x2  }
0xb9: {  	s31 =	sshll.u32 s1, $0xD;
	s1 =	sshrl.u32 s1, $0x2  }
0xba: {  	s3 =	sand.u32 $0x4000, s31;
	s1 =	sadd.s32 s1, s30  }
0xbb: {  	s0 =	sor.u32 s3, s0;
	s1 =	sshll.u32 s1, $0x11  }
0xbc: {  	s0 =	sor.u32 s1, s0  }
0xbd: {  	s0 =	sadd.s32 $0x8F2B, s0  }
0xbe: {  	[sflag:s0] =	ssyncadd.remote.s32 $0x1  }
0xbf: {  	_ =	sfence.sel $0xFFFF  }
0xc0: {  	[dreg:$0x0] =	wrdreg $0xFFFFFFFF;
	(pc) =	sbr.abs _section_cstart, $3  }
0xc1: {  	[dreg:$0x1] =	wrdreg $0xFFFFFFFF  }
0xc2: {  	_ =	task.clear_ibuf [dreg:s7], $0x2FFFF;
	_ =	strace $0x9FFFFFFF  }
0xc3: {  	(tm) =	ssettm $0x7FFFFFFF  }
tec
execute0_lowered:
.L_overlay_start_1:
0x0: {  	(tag) =	ssettag $0x1  }
0x1: {  	s7 =	rddreg [dreg:$0x0]  }
0x2: {  	s8 =	rddreg [dreg:$0x1]  }
0x3: {  	s1 =	srdreg.scid;
	s0 =	stileid.u32  }
0x4: {  	s2 =	rddreg [dreg:$0x2];
	s3 =	simm.s32 $0x0;
	s14 =	simm.s32 $0x50  }
0x5: {  	s15 =	simm.s32 $0x6780;
	s16 =	simm.s32 $0x8F80;
	s17 =	simm.s32 $0x1  }
0x6: {  	s18 =	simm.s32 $0x2;
	s19 =	simm.s32 $0x6480;
	s20 =	simm.s32 $0x26C0  }
0x7: {  	s21 =	simm.s32 $0x6500;
	s22 =	simm.s32 $0x6580;
	s23 =	simm.s32 $0x0  }
0x8: {  	s6 =	sand.u32 $0x1, s1;
	s4 =	sshll.u32 s0, $0x1;
	s1 =	rddreg [dreg:$0x3]  }
0x9: {  	[smem:$0x7FF] =	sst s3;
	s12 =	smul.u32 $0x278, s0;
	s31 =	sshll.u32 s0, $0x6  }
0xa: {  	s5 =	sor.u32 s6, s4;
	_ =	strace $0x8000004A;
	s4 =	sadd.s32 $0x13E00, s7  }
0xb: {  	s10 =	ssub.s32 $0x2, s6;
	p0 =	seq.s32 s6, $0x1;
	s9 =	smul.u32 $0x4E2, s5  }
0xc: {  	s5 =	sshll.u32 s5, $0xB;
	s11 =	sshrl.u32 s10, $0x1;
	s29 =	smin.u32 s12, $0x2498  }
0xd: {  	s13 =	sadd.s32 s5, s7;
	s10 =	ssub.s32 s10, s11;
	s11 =	simm.s32 $0x2B5E00  }
0xe: {  	s12 =	sshll.u32 s29, $0x7;
	s9 =	sadd.s32 s9, s7;
	s6 =	sadd.s32 $0x3E00, s13  }
0xf: {  	s11 =	simm.s32 @!p0 $0x28EC00;
	s30 =	sadd.s32 s12, s2;
	s12 =	sor.u32 $0x1C03, s31  }
0x10: {  	s5 =	sadd.s32 $0x284E00, s9;
	s9 =	sshll.u32 s29, $0x4;
	s11 =	sadd.s32 s11, s7  }
0x11: {  	s13 =	sshrl.u32 s30, $0x3;
	s7 =	sadd.s32 s8, s9;
	s8 =	smax.u32 s10, $0x1  }
0x12: {  	s9 =	sadd.s32 s11, s9;
	s10 =	simm.s32 $0x3;
	s11 =	simm.s32 $0x2780  }
.LBB2_1:
0x13: {  	[tilespmem:s3], [sflag:$0x3] =	stream.linear.gather [hbm4b:s5+s3], $0x2710, $0x38;
	[tilespmem:$0x1F000] =	vst v63  }
0x14: {  	_ =	swait.ge [sflag:s10], $0x2710  }
0x15: {  	[sflag:s10] =	ssyncset.done $0x0  }
0x16: {  	[sflag:s10] =	ssyncadd.s32 $0xFFFFD8F0  }
0x17: {  	[tilespmem:s11], [sflag:$0x3] =	stream.linear.gather [hbm4b:s6+s3], $0x3E80, $0x38;
	[tilespmem:$0x1F000] =	vst v63  }
0x18: {  	_ =	swait.ge [sflag:s10], $0x3E80  }
0x19: {  	[sflag:s10] =	ssyncset.done $0x0  }
0x1a: {  	[sflag:s10] =	ssyncadd.s32 $0xFFFFC180  }
0x1b: {  	[spmem:s13], [sflag:s12] =	dma.local [hbm:s7], $0x2780  }
0x1c: {  	_ =	swait.ge [sflag:s10], $0x2780  }
0x1d: {  	[sflag:s10] =	ssyncset.done $0x0  }
0x1e: {  	[sflag:s10] =	ssyncadd.s32 $0xFFFFD880  }
0x1f: {  	[bflag:$0x0] =	sbarrier.arrive $0xFFFF  }
0x20: {  	[tilespmem:s15], [sflag:$0x1] =	stream.indirect.gather [hbm4b:s4+s14], $0x80, s3, s14, $0xb8;
	[tilespmem:$0x1F000] =	vst v63  }
0x21: {  	_ = 	snop  }
0x22: {  	[tilespmem:s16], [sflag:$0x2] =	stream.indirect.gather [hbm4b:s4+s14], $0x80, s14, s14, $0xb8;
	[tilespmem:$0x1F000] =	vst v63  }
0x23: {  	_ =	swait.ge [sflag:s17], $0x2800  }
0x24: {  	[sflag:s17] =	ssyncset.done $0x0  }
0x25: {  	s24 =	simm.s32 $0x2780;
	[sflag:s17] =	ssyncadd.s32 $0xFFFFD800  }
0x26: {  	[spmem:s2] =	stream.indirect.scatter.add.f32 [tilespmem:s15], [sflag:$0x3], $0x80, s24, s14, $0xb8;
	[tilespmem:$0x1F000] =	vst v63  }
0x27: {  	_ =	swait.ge [sflag:s10], $0x2800  }
0x28: {  	[sflag:s10] =	ssyncset.done $0x0  }
0x29: {  	s30 =	simm.s32 $0xA0;
	[sflag:s10] =	ssyncadd.s32 $0xFFFFD800  }
0x2a: {  	[tilespmem:s15], [sflag:$0x1] =	stream.indirect.gather [hbm4b:s4+s14], $0x80, s30, s14, $0xb8;
	[tilespmem:$0x1F000] =	vst v63  }
0x2b: {  	_ =	swait.ge [sflag:s18], $0x2800  }
0x2c: {  	[sflag:s18] =	ssyncset.done $0x0  }
0x2d: {  	s31 =	simm.s32 $0x2800;
	[sflag:s18] =	ssyncadd.s32 $0xFFFFD800  }
0x2e: {  	[spmem:s2] =	stream.indirect.scatter.add.f32 [tilespmem:s16], [sflag:$0x3], $0x80, s31, s14, $0xb8;
	[tilespmem:$0x1F000] =	vst v63  }
0x2f: {  	_ =	swait.ge [sflag:s10], $0x2800  }
0x30: {  	s25 =	simm.s32 $0x400;
	[sflag:s10] =	ssyncset.done $0x0  }
0x31: {  	s26 =	simm.s32 $0x190;
	s24 =	simm.s32 $0xF0;
	[sflag:s10] =	ssyncadd.s32 $0xFFFFD800  }
.LBB2_2:
0x32: {  	[tilespmem:s16], [sflag:$0x2] =	stream.indirect.gather [hbm4b:s4+s14], $0x80, s24, s14, $0xb8;
	[tilespmem:$0x1F000] =	vst v63  }
0x33: {  	s28 =	smov.u32 s25;
	s24 =	smov.u32 s26  }
0x34: {  	p0 =	sne.s32 s25, $0xF000;
	s25 =	sadd.s32 $0x400, s25;
	_ =	swait.ge [sflag:s17], $0x2800  }
0x35: {  	s28 =	sshra.s32 s28, $0x2;
	[sflag:s17] =	ssyncset.done $0x0  }
0x36: {  	s29 =	sadd.s32 $0x2780, s28;
	[sflag:s17] =	ssyncadd.s32 $0xFFFFD800  }
0x37: {  	[spmem:s2] =	stream.indirect.scatter.add.f32 [tilespmem:s15], [sflag:$0x3], $0x80, s29, s14, $0xb8;
	[tilespmem:$0x1F000] =	vst v63  }
0x38: {  	_ =	swait.ge [sflag:s10], $0x2800  }
0x39: {  	[sflag:s10] =	ssyncset.done $0x0  }
0x3a: {  	s29 =	sadd.s32 $0xFFFFFFB0, s26;
	[sflag:s10] =	ssyncadd.s32 $0xFFFFD800  }
0x3b: {  	[tilespmem:s15], [sflag:$0x1] =	stream.indirect.gather [hbm4b:s4+s14], $0x80, s29, s14, $0xb8;
	[tilespmem:$0x1F000] =	vst v63  }
0x3c: {  	_ =	swait.ge [sflag:s18], $0x2800  }
0x3d: {  	[sflag:s18] =	ssyncset.done $0x0  }
.Ltmp0:
0x3e: {  	s28 =	sadd.s32 $0x2800, s28;
	[sflag:s18] =	ssyncadd.s32 $0xFFFFD800;
	(pc) =	sbr.rel @p0 .LBB2_2-.Ltmp0, $4  }
0x3f: {  	[spmem:s2] =	stream.indirect.scatter.add.f32 [tilespmem:s16], [sflag:$0x3], $0x80, s28, s14, $0xb8;
	[tilespmem:$0x1F000] =	vst v63  }
0x40: {  	_ =	swait.ge [sflag:s10], $0x2800  }
0x41: {  	[sflag:s10] =	ssyncset.done $0x0  }
0x42: {  	s26 =	sadd.s32 $0xA0, s26;
	[sflag:s10] =	ssyncadd.s32 $0xFFFFD800  }
0x43: {  	[tilespmem:s16], [sflag:$0x2] =	stream.indirect.gather [hbm4b:s4+s14], $0x80, s24, s14, $0xb8;
	[tilespmem:$0x1F000] =	vst v63  }
0x44: {  	_ =	swait.ge [sflag:s17], $0x2800  }
0x45: {  	[sflag:s17] =	ssyncset.done $0x0  }
0x46: {  	[sflag:s17] =	ssyncadd.s32 $0xFFFFD800  }
0x47: {  	[spmem:s2] =	stream.indirect.scatter.add.f32 [tilespmem:s15], [sflag:$0x3], $0x80, s19, s14, $0xb8;
	[tilespmem:$0x1F000] =	vst v63  }
0x48: {  	_ =	swait.ge [sflag:s10], $0x2800  }
0x49: {  	[sflag:s10] =	ssyncset.done $0x0  }
0x4a: {  	[sflag:s10] =	ssyncadd.s32 $0xFFFFD800  }
0x4b: {  	[tilespmem:s15], [sflag:$0x1] =	stream.indirect.gather [hbm4b:s4+s14], $0x80, s20, s14, $0xb8;
	[tilespmem:$0x1F000] =	vst v63  }
0x4c: {  	_ =	swait.ge [sflag:s18], $0x2800  }
0x4d: {  	[sflag:s18] =	ssyncset.done $0x0  }
0x4e: {  	[sflag:s18] =	ssyncadd.s32 $0xFFFFD800  }
0x4f: {  	[spmem:s2] =	stream.indirect.scatter.add.f32 [tilespmem:s16], [sflag:$0x3], $0x80, s21, s14, $0xb8;
	[tilespmem:$0x1F000] =	vst v63  }
0x50: {  	_ =	swait.ge [sflag:s10], $0x2800  }
0x51: {  	[sflag:s10] =	ssyncset.done $0x0  }
0x52: {  	[sflag:s10] =	ssyncadd.s32 $0xFFFFD800  }
0x53: {  	_ =	swait.ge [sflag:s17], $0x2800  }
0x54: {  	[sflag:s17] =	ssyncset.done $0x0  }
0x55: {  	[sflag:s17] =	ssyncadd.s32 $0xFFFFD800  }
0x56: {  	[spmem:s2] =	stream.indirect.scatter.add.f32 [tilespmem:s15], [sflag:$0x3], $0x80, s22, s14, $0xb8;
	[tilespmem:$0x1F000] =	vst v63  }
0x57: {  	_ =	swait.ge [sflag:s10], $0x2800  }
0x58: {  	s23 =	sadd.s32 $0x1, s23;
	[sflag:s10] =	ssyncset.done $0x0  }
0x59: {  	p0 =	sne.s32 s23, s8;
	[sflag:s10] =	ssyncadd.s32 $0xFFFFD800  }
.Ltmp1:
0x5a: {  	[bflag:$0x0] =	sbarrier.arrive $0xFFFF;
	(pc) =	sbr.rel @p0 .LBB2_1-.Ltmp1, $4  }
0x5b: {  	[hbm:s9], [sflag:s12] =	dma.local [spmem:s13], $0x2780  }
0x5c: {  	_ =	swait.ge [sflag:s10], $0x2780  }
0x5d: {  	[sflag:s10] =	ssyncset.done $0x0  }
0x5e: {  	[sflag:s10] =	ssyncadd.s32 $0xFFFFD880  }
0x5f: {  	_ =	sfence.sel $0x180000  }
0x60: {  	[bflag:$0x0] =	sbarrier.arrive $0xFFFF  }
0x61: {  	p0 =	sne.s32 s0, $0x0;
	_ =	strace $0x9000004A  }
0x62: {  	s0 =	sadd.s32 @!p0 $0x100000, s1;
	[bflag:$0x2] =	sbarrier.arrive $0xFFFF  }
0x63: {  	[sflag:s0] =	ssyncadd.tile.s32 @!p0 $0x1;
	_ =	shalt  }
.Lfunc_end2:
_tile_overlayer_lowered:
.L_overlay_start_2:
0x64: {  	(tag) =	ssettag $0x2  }
0x65: {  	s0 =	rddreg [dreg:$0x0];
	s2 =	stileid.u32  }
0x66: {  	s1 =	rddreg [dreg:$0x1];
	p0 =	sne.s32 s2, $0x0  }
0x67: {  	s3 =	rddreg [dreg:$0x2];
	[bflag:$0x3] =	sbarrier.arrive $0xFFFF;
	s2 =	simm.s32 @!p0 $0x1C03  }
0x68: {  	[timem:s3], [sflag:s2] =	dma.local @!p0 [hbm:s0], s1  }
0x69: {  	s0 =	simm.s32 @!p0 $0x3  }
0x6a: {  	_ =	swait.ge @!p0 [sflag:s0], s1  }
0x6b: {  	s1 =	ssub.s32 @!p0 $0x0, s1;
	[sflag:s0] =	ssyncset.done @!p0 $0x0  }
0x6c: {  	[sflag:s0] =	ssyncadd.s32 @!p0 s1  }
0x6d: {  	[bflag:$0x3] =	sbarrier.arrive $0xFFFF  }
0x6e: {  	_ =	shalt  }

// kernel: kernel.15.cloned.1.call-start
scs
__scs_entry_jumppad:
0x0: {  	(pc) =	sbr.rel $0x88, $3  }
0x1: {  	(tag) =	ssettag $0x0;
	lr =	simm.s32 $0x1  }
0x2: {  	[smem:$0x3F9A] =	sst lr;
	_ =	strace $0xD0000000  }
0x3: {  	_ = 	snop  }
0x4: {  	_ = 	snop  }
0x5: {  	_ = 	snop  }
0x6: {  	_ = 	snop  }
0x7: {  	_ = 	snop  }
__scs_overlays_trampoline_lowered:
0x8: {  	[smem:$0x3FA9] =	sst s0  }
0x9: {  	[smem:$0x3FAA] =	sst s1  }
0xa: {  	[smem:$0x3FAB] =	sst s2  }
0xb: {  	[smem:$0x3FAC] =	sst s3  }
0xc: {  	[smem:$0x3FAD] =	sst s4  }
0xd: {  	[smem:$0x3FAE] =	sst s5  }
0xe: {  	[smem:$0x3FAF] =	sst s6  }
0xf: {  	[smem:$0x3FB0] =	sst s7  }
0x10: {  	[smem:$0x3FB1] =	sst s8  }
0x11: {  	[smem:$0x3FB2] =	sst s9;
	s0 =	simm.s32 @!p0 $0x0  }
0x12: {  	s1 =	sld [smem:$0x3F98];
	s0 =	simm.s32 @p0 $0x1  }
0x13: {  	[smem:$0x3FB3] =	sst s0;
	s0 =	simm.s32 @!p1 $0x0  }
0x14: {  	s2 =	sld [smem:$0x3F97];
	s0 =	simm.s32 @p1 $0x1  }
0x15: {  	[smem:$0x3FB4] =	sst s0;
	s0 =	simm.s32 @!p2 $0x0  }
0x16: {  	s3 =	sld [smem:$0x3FDB];
	s0 =	simm.s32 @p2 $0x1  }
0x17: {  	s4 =	simm.s32 $0x1BF5;
	[smem:$0x3FB6] =	sst s0  }
0x18: {  	s0 =	sld [smem:$0x3F99];
	_ =	swait.ge [sflag:s4], $0x0  }
0x19: {  	s7 =	sld [smem:$0x3F9A]  }
0x1a: {  	s8 =	sadd.s32 $0xFFFFE003, lr  }
0x1b: {  	s9 =	sadd.s32 $0xFFFFFEF7, lr;
	s5 =	simm.s32 $0xFFFFFFFF;
	p2 =	slt.u32 s8, $0xFFFFF086  }
0x1c: {  	p1 =	slt.u32 s9, $0xF7A;
	s5 =	simm.s32 @!p2 $0x0  }
0x1d: {  	s5 =	simm.s32 @p1 $0x1;
	p0 =	seq.s32 s7, s2  }
0x1e: {  	s7 =	smul.u32 @!p0 $0xF7A, s2;
	p2 =	seq.s32 @!p0 s5, $0x0  }
0x1f: {  	s9 =	smul.u32 $0xF7A, s1;
	s8 =	simm.s32 @!p0 $0x1BF5;
	p2 =	por !p2, p0  }
0x20: {  	[sflag:s8] =	ssyncset.s32 @!p0 $0xFFFFF086;
	s6 =	sadd.s32 @!p0 s3, s7;
	s7 =	simm.s32 @!p0 $0x108  }
0x21: {  	s3 =	sadd.s32 s3, s9;
	s6 =	sadd.s32 @!p0 $0x88, s6;
	s7 =	simm.s32 @p2 $0x1082  }
0x22: {  	[simem:s7], [sflag:s8] =	dma.local @!p0 [hbm:s6], $0xF7A  }
0x23: {  	s9 =	sor.u32 $0xD0000000, s2;
	s6 =	simm.s32 $0x108;
	_ =	swait.ge @!p0 [sflag:s8], $0x0  }
0x24: {  	s3 =	sadd.s32 $0x88, s3;
	s6 =	simm.s32 @!p1 $0x1082;
	[sflag:s4] =	ssyncset.s32 $0xFFFFF086  }
0x25: {  	[simem:s6], [sflag:s4] =	dma.local [hbm:s3], $0xF7A  }
0x26: {  	[smem:$0x3F9A] =	sst s1;
	(tag) =	ssettag s2;
	_ =	strace s9  }
0x27: {  	s1 =	sld [smem:$0x3FAA]  }
0x28: {  	s2 =	sld [smem:$0x3FAB]  }
0x29: {  	s4 =	sld [smem:$0x3FAD]  }
0x2a: {  	p0 =	seq.s32 s5, $0x0;
	s5 =	sld [smem:$0x3FAE]  }
0x2b: {  	s6 =	sld [smem:$0x3FAF]  }
0x2c: {  	s7 =	sld [smem:$0x3FB0]  }
0x2d: {  	s3 =	simm.s32 $0x108;
	s8 =	sld [smem:$0x3FB1]  }
0x2e: {  	s3 =	simm.s32 @!p0 $0x1082;
	s9 =	sld [smem:$0x3FB2]  }
0x2f: {  	lr =	sadd.s32 s0, s3;
	s0 =	sld [smem:$0x3FA9]  }
0x30: {  	s3 =	sld [smem:$0x3FAC]  }
0x31: {  	[smem:$0x3FB5] =	sst s10  }
0x32: {  	s10 =	sld [smem:$0x3FB3];
	_ =	sdelay $0x3  }
0x33: {  	p0 =	seq.s32 s10, $0x1;
	s10 =	sld [smem:$0x3FB5];
	_ =	sdelay $0x3  }
0x34: {  	[smem:$0x3FB5] =	sst s10  }
0x35: {  	s10 =	sld [smem:$0x3FB4];
	_ =	sdelay $0x3  }
0x36: {  	p1 =	seq.s32 s10, $0x1;
	s10 =	sld [smem:$0x3FB5];
	_ =	sdelay $0x3  }
0x37: {  	[smem:$0x3FB5] =	sst s10  }
0x38: {  	s10 =	sld [smem:$0x3FB6]  }
0x39: {  	_ = 	snop;
	(pc) =	sbr.ind lr, $3  }
0x3a: {  	_ = 	snop  }
0x3b: {  	_ = 	snop  }
0x3c: {  	p2 =	seq.s32 s10, $0x1;
	s10 =	sld [smem:$0x3FB5]  }
0x3d: {  	_ =	shalt  }
0x3e: {  	_ =	shalt  }
0x3f: {  	_ =	shalt  }
0x40: {  	_ =	shalt  }
0x41: {  	_ =	shalt  }
0x42: {  	_ =	shalt  }
0x43: {  	_ =	shalt  }
0x44: {  	_ =	shalt  }
0x45: {  	_ =	shalt  }
0x46: {  	_ =	shalt  }
0x47: {  	_ =	shalt  }
0x48: {  	_ =	shalt  }
0x49: {  	_ =	shalt  }
0x4a: {  	_ =	shalt  }
0x4b: {  	_ =	shalt  }
0x4c: {  	_ =	shalt  }
0x4d: {  	_ =	shalt  }
0x4e: {  	_ =	shalt  }
0x4f: {  	_ =	shalt  }
0x50: {  	_ =	shalt  }
0x51: {  	_ =	shalt  }
0x52: {  	_ =	shalt  }
0x53: {  	_ =	shalt  }
0x54: {  	_ =	shalt  }
0x55: {  	_ =	shalt  }
0x56: {  	_ =	shalt  }
0x57: {  	_ =	shalt  }
0x58: {  	_ =	shalt  }
0x59: {  	_ =	shalt  }
0x5a: {  	_ =	shalt  }
0x5b: {  	_ =	shalt  }
0x5c: {  	_ =	shalt  }
0x5d: {  	_ =	shalt  }
0x5e: {  	_ =	shalt  }
0x5f: {  	_ =	shalt  }
0x60: {  	_ =	shalt  }
0x61: {  	_ =	shalt  }
0x62: {  	_ =	shalt  }
0x63: {  	_ =	shalt  }
0x64: {  	_ =	shalt  }
0x65: {  	_ =	shalt  }
0x66: {  	_ =	shalt  }
0x67: {  	_ =	shalt  }
0x68: {  	_ =	shalt  }
0x69: {  	_ =	shalt  }
0x6a: {  	_ =	shalt  }
0x6b: {  	_ =	shalt  }
0x6c: {  	_ =	shalt  }
0x6d: {  	_ =	shalt  }
0x6e: {  	_ =	shalt  }
0x6f: {  	_ =	shalt  }
0x70: {  	_ =	shalt  }
0x71: {  	_ =	shalt  }
0x72: {  	_ =	shalt  }
0x73: {  	_ =	shalt  }
0x74: {  	_ =	shalt  }
0x75: {  	_ =	shalt  }
0x76: {  	_ =	shalt  }
0x77: {  	_ =	shalt  }
0x78: {  	_ =	shalt  }
0x79: {  	_ =	shalt  }
0x7a: {  	_ =	shalt  }
0x7b: {  	_ =	shalt  }
0x7c: {  	_ =	shalt  }
0x7d: {  	_ =	shalt  }
0x7e: {  	_ =	shalt  }
0x7f: {  	_ =	shalt  }
0x80: {  	_ =	shalt  }
0x81: {  	_ =	shalt  }
0x82: {  	_ =	shalt  }
0x83: {  	_ =	shalt  }
0x84: {  	_ =	shalt  }
0x85: {  	_ =	shalt  }
0x86: {  	_ =	shalt  }
0x87: {  	_ =	shalt  }
.Lfunc_end0:
.L_simem_size_0:
called_computation.2_lowered:
.L_overlay_start_0:
0x88: {  	s2 =	sld [smem:$0x3FD9]  }
0x89: {  	s3 =	sld [smem:$0x3FFE];
	_ =	sdelay $0x1  }
0x8a: {  	s1 =	srdreg.scid  }
0x8b: {  	s0 =	sand.u32 $0x1, s1  }
0x8c: {  	s17 =	sshll.u32 s0, $0xA;
	s2 =	sadd.s32 s3, s2  }
0x8d: {  	s2 =	sadd.s32 s2, s17  }
0x8e: {  	[smem:$0x3FC1] =	sst s2  }
0x8f: {  	_ = 	snop  }
0x90: {  	s2 =	sld [smem:$0x3FD0];
	(tm) =	ssettm $0x1  }
0x91: {  	s18 =	sld [smem:$0x3FFB];
	_ =	sdelay $0x3  }
0x92: {  	_ =	strace s18  }
0x93: {  	s3 =	sld [smem:$0x3FFC];
	_ =	sdelay $0x3  }
0x94: {  	_ =	strace s3  }
0x95: {  	s3 =	sld [smem:$0x3FFD];
	_ =	sdelay $0x3  }
0x96: {  	_ =	strace s3  }
0x97: {  	_ =	strace $0x8FFFFFFF  }
0x98: {  	s19 =	sld [smem:$0x3FDB];
	_ =	sdelay $0x1  }
0x99: {  	s4 =	simm.s32 $_scs_section_size  }
0x9a: {  	s5 =	simm.s32 $_size__tile_overlayer_lowered;
	s6 =	simm.s32 $_tile_overlayer_lowered  }
0x9b: {  	s22 =	simm.s32 $0x1BFF;
	s21 =	sshll.u32 s6, $0x1;
	s3 =	sadd.s32 s4, s19  }
0x9c: {  	s7 =	simm.s32 $0x0;
	s20 =	sshll.u32 s5, $0x1;
	s5 =	sadd.s32 s21, s3  }
0x9d: {  	[timem:s7], [sflag:s22] =	dma.local [hbm:s5], s20  }
0x9e: {  	_ =	swait.ge [sflag:s22], s20  }
0x9f: {  	s4 =	ssub.s32 $0x0, s20;
	[sflag:s22] =	ssyncset.done $0x0  }
0xa0: {  	[sflag:s22] =	ssyncadd.s32 s4;
	_ =	sdelay $0x1  }
0xa1: {  	s23 =	simm.s32 $0x1B8B  }
0xa2: {  	_ =	swait.ge [sflag:s23], $0x1  }
0xa3: {  	[sflag:s23] =	ssyncset.done $0x0  }
0xa4: {  	s25 =	simm.s32 $0x1B8E;
	s24 =	sld [smem:$0x3FFE];
	[sflag:s23] =	ssyncadd.s32 $0xFFFFFFFF  }
0xa5: {  	s26 =	simm.s32 $execute0_lowered;
	[smem:$0x3FD2] =	sst s25  }
0xa6: {  	s5 =	sshll.u32 s26, $0x1;
	_ =	strace $0x8000004C;
	[dreg:$0x1] =	wrdreg $0xFFFFFFFF  }
0xa7: {  	s28 =	simm.s32 $_size_execute0_lowered;
	s3 =	sadd.s32 s3, s5;
	[dreg:$0x0] =	wrdreg $0x0  }
0xa8: {  	s5 =	sshll.u32 s28, $0x1;
	[dreg:$0x2] =	wrdreg s3  }
0xa9: {  	[dreg:$0x3] =	wrdreg s5  }
0xaa: {  	[dreg:$0x4] =	wrdreg $0xC0  }
0xab: {  	_ =	task [dreg:s7], $0x5FFFF  }
0xac: {  	[dreg:$0x1] =	wrdreg $0xFFFFFFFF  }
0xad: {  	[dreg:$0x0] =	wrdreg $0x60  }
0xae: {  	[dreg:$0x2] =	wrdreg s24  }
0xaf: {  	[dreg:$0x3] =	wrdreg s2  }
0xb0: {  	[dreg:$0x4] =	wrdreg $0xB7800  }
0xb1: {  	[dreg:$0x5] =	wrdreg $0x9  }
0xb2: {  	_ =	task.clear_ibuf [dreg:s7], $0x6FFFF;
	_ =	strace $0x9000004C  }
0xb3: {  	s29 =	simm.s32 $0x9;
	_ =	strace $0x8000004E  }
0xb4: {  	_ =	swait.ge [sflag:s29], $0x1  }
0xb5: {  	[sflag:s29] =	ssyncadd.s32 $0xFFFFFFFF  }
0xb6: {  	_ =	strace $0x9000004E  }
0xb7: {  	_ =	sfence  }
0xb8: {  	s30 =	sld [smem:$0x0];
	_ =	sdelay $0x2  }
0xb9: {  	s31 =	sshll.u32 s1, $0xD;
	s1 =	sshrl.u32 s1, $0x2  }
0xba: {  	s3 =	sand.u32 $0x4000, s31;
	s1 =	sadd.s32 s1, s30  }
0xbb: {  	s0 =	sor.u32 s3, s0;
	s1 =	sshll.u32 s1, $0x11  }
0xbc: {  	s0 =	sor.u32 s1, s0  }
0xbd: {  	s0 =	sadd.s32 $0x8F2B, s0  }
0xbe: {  	[sflag:s0] =	ssyncadd.remote.s32 $0x1  }
0xbf: {  	_ =	sfence.sel $0xFFFF  }
0xc0: {  	[dreg:$0x0] =	wrdreg $0xFFFFFFFF;
	(pc) =	sbr.abs _section_cstart, $3  }
0xc1: {  	[dreg:$0x1] =	wrdreg $0xFFFFFFFF  }
0xc2: {  	_ =	task.clear_ibuf [dreg:s7], $0x2FFFF;
	_ =	strace $0x9FFFFFFF  }
0xc3: {  	(tm) =	ssettm $0x7FFFFFFF  }
tec
execute0_lowered:
.L_overlay_start_1:
0x0: {  	(tag) =	ssettag $0x1  }
0x1: {  	s7 =	rddreg [dreg:$0x0]  }
0x2: {  	s8 =	rddreg [dreg:$0x1]  }
0x3: {  	s1 =	srdreg.scid;
	s0 =	stileid.u32  }
0x4: {  	s2 =	rddreg [dreg:$0x2];
	s3 =	simm.s32 $0x0;
	s14 =	simm.s32 $0x50  }
0x5: {  	s15 =	simm.s32 $0x6780;
	s16 =	simm.s32 $0x8F80;
	s17 =	simm.s32 $0x1  }
0x6: {  	s18 =	simm.s32 $0x2;
	s19 =	simm.s32 $0x6480;
	s20 =	simm.s32 $0x26C0  }
0x7: {  	s21 =	simm.s32 $0x6500;
	s22 =	simm.s32 $0x6580;
	s23 =	simm.s32 $0x0  }
0x8: {  	s6 =	sand.u32 $0x1, s1;
	s4 =	sshll.u32 s0, $0x1;
	s1 =	rddreg [dreg:$0x3]  }
0x9: {  	[smem:$0x7FF] =	sst s3;
	s12 =	smul.u32 $0x278, s0;
	s31 =	sshll.u32 s0, $0x6  }
0xa: {  	s5 =	sor.u32 s6, s4;
	_ =	strace $0x8000004D;
	s4 =	sadd.s32 $0x13E00, s7  }
0xb: {  	s10 =	ssub.s32 $0x2, s6;
	p0 =	seq.s32 s6, $0x1;
	s9 =	smul.u32 $0x4E2, s5  }
0xc: {  	s5 =	sshll.u32 s5, $0xB;
	s11 =	sshrl.u32 s10, $0x1;
	s29 =	smin.u32 s12, $0x2498  }
0xd: {  	s13 =	sadd.s32 s5, s7;
	s10 =	ssub.s32 s10, s11;
	s11 =	simm.s32 $0x2B5E00  }
0xe: {  	s12 =	sshll.u32 s29, $0x7;
	s9 =	sadd.s32 s9, s7;
	s6 =	sadd.s32 $0x3E00, s13  }
0xf: {  	s11 =	simm.s32 @!p0 $0x28EC00;
	s30 =	sadd.s32 s12, s2;
	s12 =	sor.u32 $0x1C03, s31  }
0x10: {  	s5 =	sadd.s32 $0x284E00, s9;
	s9 =	sshll.u32 s29, $0x4;
	s11 =	sadd.s32 s11, s7  }
0x11: {  	s13 =	sshrl.u32 s30, $0x3;
	s7 =	sadd.s32 s8, s9;
	s8 =	smax.u32 s10, $0x1  }
0x12: {  	s9 =	sadd.s32 s11, s9;
	s10 =	simm.s32 $0x3;
	s11 =	simm.s32 $0x2780  }
.LBB2_1:
0x13: {  	[tilespmem:s3], [sflag:$0x3] =	stream.linear.gather [hbm4b:s5+s3], $0x2710, $0x38;
	[tilespmem:$0x1F000] =	vst v63  }
0x14: {  	_ =	swait.ge [sflag:s10], $0x2710  }
0x15: {  	[sflag:s10] =	ssyncset.done $0x0  }
0x16: {  	[sflag:s10] =	ssyncadd.s32 $0xFFFFD8F0  }
0x17: {  	[tilespmem:s11], [sflag:$0x3] =	stream.linear.gather [hbm4b:s6+s3], $0x3E80, $0x38;
	[tilespmem:$0x1F000] =	vst v63  }
0x18: {  	_ =	swait.ge [sflag:s10], $0x3E80  }
0x19: {  	[sflag:s10] =	ssyncset.done $0x0  }
0x1a: {  	[sflag:s10] =	ssyncadd.s32 $0xFFFFC180  }
0x1b: {  	[spmem:s13], [sflag:s12] =	dma.local [hbm:s7], $0x2780  }
0x1c: {  	_ =	swait.ge [sflag:s10], $0x2780  }
0x1d: {  	[sflag:s10] =	ssyncset.done $0x0  }
0x1e: {  	[sflag:s10] =	ssyncadd.s32 $0xFFFFD880  }
0x1f: {  	[bflag:$0x0] =	sbarrier.arrive $0xFFFF  }
0x20: {  	[tilespmem:s15], [sflag:$0x1] =	stream.indirect.gather [hbm4b:s4+s14], $0x80, s3, s14, $0xb8;
	[tilespmem:$0x1F000] =	vst v63  }
0x21: {  	_ = 	snop  }
0x22: {  	[tilespmem:s16], [sflag:$0x2] =	stream.indirect.gather [hbm4b:s4+s14], $0x80, s14, s14, $0xb8;
	[tilespmem:$0x1F000] =	vst v63  }
0x23: {  	_ =	swait.ge [sflag:s17], $0x2800  }
0x24: {  	[sflag:s17] =	ssyncset.done $0x0  }
0x25: {  	s24 =	simm.s32 $0x2780;
	[sflag:s17] =	ssyncadd.s32 $0xFFFFD800  }
0x26: {  	[spmem:s2] =	stream.indirect.scatter.add.f32 [tilespmem:s15], [sflag:$0x3], $0x80, s24, s14, $0xb8;
	[tilespmem:$0x1F000] =	vst v63  }
0x27: {  	_ =	swait.ge [sflag:s10], $0x2800  }
0x28: {  	[sflag:s10] =	ssyncset.done $0x0  }
0x29: {  	s30 =	simm.s32 $0xA0;
	[sflag:s10] =	ssyncadd.s32 $0xFFFFD800  }
0x2a: {  	[tilespmem:s15], [sflag:$0x1] =	stream.indirect.gather [hbm4b:s4+s14], $0x80, s30, s14, $0xb8;
	[tilespmem:$0x1F000] =	vst v63  }
0x2b: {  	_ =	swait.ge [sflag:s18], $0x2800  }
0x2c: {  	[sflag:s18] =	ssyncset.done $0x0  }
0x2d: {  	s31 =	simm.s32 $0x2800;
	[sflag:s18] =	ssyncadd.s32 $0xFFFFD800  }
0x2e: {  	[spmem:s2] =	stream.indirect.scatter.add.f32 [tilespmem:s16], [sflag:$0x3], $0x80, s31, s14, $0xb8;
	[tilespmem:$0x1F000] =	vst v63  }
0x2f: {  	_ =	swait.ge [sflag:s10], $0x2800  }
0x30: {  	s25 =	simm.s32 $0x400;
	[sflag:s10] =	ssyncset.done $0x0  }
0x31: {  	s26 =	simm.s32 $0x190;
	s24 =	simm.s32 $0xF0;
	[sflag:s10] =	ssyncadd.s32 $0xFFFFD800  }
.LBB2_2:
0x32: {  	[tilespmem:s16], [sflag:$0x2] =	stream.indirect.gather [hbm4b:s4+s14], $0x80, s24, s14, $0xb8;
	[tilespmem:$0x1F000] =	vst v63  }
0x33: {  	s28 =	smov.u32 s25;
	s24 =	smov.u32 s26  }
0x34: {  	p0 =	sne.s32 s25, $0xF000;
	s25 =	sadd.s32 $0x400, s25;
	_ =	swait.ge [sflag:s17], $0x2800  }
0x35: {  	s28 =	sshra.s32 s28, $0x2;
	[sflag:s17] =	ssyncset.done $0x0  }
0x36: {  	s29 =	sadd.s32 $0x2780, s28;
	[sflag:s17] =	ssyncadd.s32 $0xFFFFD800  }
0x37: {  	[spmem:s2] =	stream.indirect.scatter.add.f32 [tilespmem:s15], [sflag:$0x3], $0x80, s29, s14, $0xb8;
	[tilespmem:$0x1F000] =	vst v63  }
0x38: {  	_ =	swait.ge [sflag:s10], $0x2800  }
0x39: {  	[sflag:s10] =	ssyncset.done $0x0  }
0x3a: {  	s29 =	sadd.s32 $0xFFFFFFB0, s26;
	[sflag:s10] =	ssyncadd.s32 $0xFFFFD800  }
0x3b: {  	[tilespmem:s15], [sflag:$0x1] =	stream.indirect.gather [hbm4b:s4+s14], $0x80, s29, s14, $0xb8;
	[tilespmem:$0x1F000] =	vst v63  }
0x3c: {  	_ =	swait.ge [sflag:s18], $0x2800  }
0x3d: {  	[sflag:s18] =	ssyncset.done $0x0  }
.Ltmp0:
0x3e: {  	s28 =	sadd.s32 $0x2800, s28;
	[sflag:s18] =	ssyncadd.s32 $0xFFFFD800;
	(pc) =	sbr.rel @p0 .LBB2_2-.Ltmp0, $4  }
0x3f: {  	[spmem:s2] =	stream.indirect.scatter.add.f32 [tilespmem:s16], [sflag:$0x3], $0x80, s28, s14, $0xb8;
	[tilespmem:$0x1F000] =	vst v63  }
0x40: {  	_ =	swait.ge [sflag:s10], $0x2800  }
0x41: {  	[sflag:s10] =	ssyncset.done $0x0  }
0x42: {  	s26 =	sadd.s32 $0xA0, s26;
	[sflag:s10] =	ssyncadd.s32 $0xFFFFD800  }
0x43: {  	[tilespmem:s16], [sflag:$0x2] =	stream.indirect.gather [hbm4b:s4+s14], $0x80, s24, s14, $0xb8;
	[tilespmem:$0x1F000] =	vst v63  }
0x44: {  	_ =	swait.ge [sflag:s17], $0x2800  }
0x45: {  	[sflag:s17] =	ssyncset.done $0x0  }
0x46: {  	[sflag:s17] =	ssyncadd.s32 $0xFFFFD800  }
0x47: {  	[spmem:s2] =	stream.indirect.scatter.add.f32 [tilespmem:s15], [sflag:$0x3], $0x80, s19, s14, $0xb8;
	[tilespmem:$0x1F000] =	vst v63  }
0x48: {  	_ =	swait.ge [sflag:s10], $0x2800  }
0x49: {  	[sflag:s10] =	ssyncset.done $0x0  }
0x4a: {  	[sflag:s10] =	ssyncadd.s32 $0xFFFFD800  }
0x4b: {  	[tilespmem:s15], [sflag:$0x1] =	stream.indirect.gather [hbm4b:s4+s14], $0x80, s20, s14, $0xb8;
	[tilespmem:$0x1F000] =	vst v63  }
0x4c: {  	_ =	swait.ge [sflag:s18], $0x2800  }
0x4d: {  	[sflag:s18] =	ssyncset.done $0x0  }
0x4e: {  	[sflag:s18] =	ssyncadd.s32 $0xFFFFD800  }
0x4f: {  	[spmem:s2] =	stream.indirect.scatter.add.f32 [tilespmem:s16], [sflag:$0x3], $0x80, s21, s14, $0xb8;
	[tilespmem:$0x1F000] =	vst v63  }
0x50: {  	_ =	swait.ge [sflag:s10], $0x2800  }
0x51: {  	[sflag:s10] =	ssyncset.done $0x0  }
0x52: {  	[sflag:s10] =	ssyncadd.s32 $0xFFFFD800  }
0x53: {  	_ =	swait.ge [sflag:s17], $0x2800  }
0x54: {  	[sflag:s17] =	ssyncset.done $0x0  }
0x55: {  	[sflag:s17] =	ssyncadd.s32 $0xFFFFD800  }
0x56: {  	[spmem:s2] =	stream.indirect.scatter.add.f32 [tilespmem:s15], [sflag:$0x3], $0x80, s22, s14, $0xb8;
	[tilespmem:$0x1F000] =	vst v63  }
0x57: {  	_ =	swait.ge [sflag:s10], $0x2800  }
0x58: {  	s23 =	sadd.s32 $0x1, s23;
	[sflag:s10] =	ssyncset.done $0x0  }
0x59: {  	p0 =	sne.s32 s23, s8;
	[sflag:s10] =	ssyncadd.s32 $0xFFFFD800  }
.Ltmp1:
0x5a: {  	[bflag:$0x0] =	sbarrier.arrive $0xFFFF;
	(pc) =	sbr.rel @p0 .LBB2_1-.Ltmp1, $4  }
0x5b: {  	[hbm:s9], [sflag:s12] =	dma.local [spmem:s13], $0x2780  }
0x5c: {  	_ =	swait.ge [sflag:s10], $0x2780  }
0x5d: {  	[sflag:s10] =	ssyncset.done $0x0  }
0x5e: {  	[sflag:s10] =	ssyncadd.s32 $0xFFFFD880  }
0x5f: {  	_ =	sfence.sel $0x180000  }
0x60: {  	[bflag:$0x0] =	sbarrier.arrive $0xFFFF  }
0x61: {  	p0 =	sne.s32 s0, $0x0;
	_ =	strace $0x9000004D  }
0x62: {  	s0 =	sadd.s32 @!p0 $0x100000, s1;
	[bflag:$0x2] =	sbarrier.arrive $0xFFFF  }
0x63: {  	[sflag:s0] =	ssyncadd.tile.s32 @!p0 $0x1;
	_ =	shalt  }
.Lfunc_end2:
_tile_overlayer_lowered:
.L_overlay_start_2:
0x64: {  	(tag) =	ssettag $0x2  }
0x65: {  	s0 =	rddreg [dreg:$0x0];
	s2 =	stileid.u32  }
0x66: {  	s1 =	rddreg [dreg:$0x1];
	p0 =	sne.s32 s2, $0x0  }
0x67: {  	s3 =	rddreg [dreg:$0x2];
	[bflag:$0x3] =	sbarrier.arrive $0xFFFF;
	s2 =	simm.s32 @!p0 $0x1C03  }
0x68: {  	[timem:s3], [sflag:s2] =	dma.local @!p0 [hbm:s0], s1  }
0x69: {  	s0 =	simm.s32 @!p0 $0x3  }
0x6a: {  	_ =	swait.ge @!p0 [sflag:s0], s1  }
0x6b: {  	s1 =	ssub.s32 @!p0 $0x0, s1;
	[sflag:s0] =	ssyncset.done @!p0 $0x0  }
0x6c: {  	[sflag:s0] =	ssyncadd.s32 @!p0 s1  }
0x6d: {  	[bflag:$0x3] =	sbarrier.arrive $0xFFFF  }
0x6e: {  	_ =	shalt  }

// kernel: kernel.9.cloned.1.call-start
scs
__scs_entry_jumppad:
0x0: {  	(pc) =	sbr.rel $0x88, $3  }
0x1: {  	(tag) =	ssettag $0x0;
	lr =	simm.s32 $0x1  }
0x2: {  	[smem:$0x3F9A] =	sst lr;
	_ =	strace $0xD0000000  }
0x3: {  	_ = 	snop  }
0x4: {  	_ = 	snop  }
0x5: {  	_ = 	snop  }
0x6: {  	_ = 	snop  }
0x7: {  	_ = 	snop  }
__scs_overlays_trampoline_lowered:
0x8: {  	[smem:$0x3FA9] =	sst s0  }
0x9: {  	[smem:$0x3FAA] =	sst s1  }
0xa: {  	[smem:$0x3FAB] =	sst s2  }
0xb: {  	[smem:$0x3FAC] =	sst s3  }
0xc: {  	[smem:$0x3FAD] =	sst s4  }
0xd: {  	[smem:$0x3FAE] =	sst s5  }
0xe: {  	[smem:$0x3FAF] =	sst s6  }
0xf: {  	[smem:$0x3FB0] =	sst s7  }
0x10: {  	[smem:$0x3FB1] =	sst s8  }
0x11: {  	[smem:$0x3FB2] =	sst s9;
	s0 =	simm.s32 @!p0 $0x0  }
0x12: {  	s1 =	sld [smem:$0x3F98];
	s0 =	simm.s32 @p0 $0x1  }
0x13: {  	[smem:$0x3FB3] =	sst s0;
	s0 =	simm.s32 @!p1 $0x0  }
0x14: {  	s2 =	sld [smem:$0x3F97];
	s0 =	simm.s32 @p1 $0x1  }
0x15: {  	[smem:$0x3FB4] =	sst s0;
	s0 =	simm.s32 @!p2 $0x0  }
0x16: {  	s3 =	sld [smem:$0x3FDB];
	s0 =	simm.s32 @p2 $0x1  }
0x17: {  	s4 =	simm.s32 $0x1BF5;
	[smem:$0x3FB6] =	sst s0  }
0x18: {  	s0 =	sld [smem:$0x3F99];
	_ =	swait.ge [sflag:s4], $0x0  }
0x19: {  	s7 =	sld [smem:$0x3F9A]  }
0x1a: {  	s8 =	sadd.s32 $0xFFFFE003, lr  }
0x1b: {  	s9 =	sadd.s32 $0xFFFFFEF7, lr;
	s5 =	simm.s32 $0xFFFFFFFF;
	p2 =	slt.u32 s8, $0xFFFFF086  }
0x1c: {  	p1 =	slt.u32 s9, $0xF7A;
	s5 =	simm.s32 @!p2 $0x0  }
0x1d: {  	s5 =	simm.s32 @p1 $0x1;
	p0 =	seq.s32 s7, s2  }
0x1e: {  	s7 =	smul.u32 @!p0 $0xF7A, s2;
	p2 =	seq.s32 @!p0 s5, $0x0  }
0x1f: {  	s9 =	smul.u32 $0xF7A, s1;
	s8 =	simm.s32 @!p0 $0x1BF5;
	p2 =	por !p2, p0  }
0x20: {  	[sflag:s8] =	ssyncset.s32 @!p0 $0xFFFFF086;
	s6 =	sadd.s32 @!p0 s3, s7;
	s7 =	simm.s32 @!p0 $0x108  }
0x21: {  	s3 =	sadd.s32 s3, s9;
	s6 =	sadd.s32 @!p0 $0x88, s6;
	s7 =	simm.s32 @p2 $0x1082  }
0x22: {  	[simem:s7], [sflag:s8] =	dma.local @!p0 [hbm:s6], $0xF7A  }
0x23: {  	s9 =	sor.u32 $0xD0000000, s2;
	s6 =	simm.s32 $0x108;
	_ =	swait.ge @!p0 [sflag:s8], $0x0  }
0x24: {  	s3 =	sadd.s32 $0x88, s3;
	s6 =	simm.s32 @!p1 $0x1082;
	[sflag:s4] =	ssyncset.s32 $0xFFFFF086  }
0x25: {  	[simem:s6], [sflag:s4] =	dma.local [hbm:s3], $0xF7A  }
0x26: {  	[smem:$0x3F9A] =	sst s1;
	(tag) =	ssettag s2;
	_ =	strace s9  }
0x27: {  	s1 =	sld [smem:$0x3FAA]  }
0x28: {  	s2 =	sld [smem:$0x3FAB]  }
0x29: {  	s4 =	sld [smem:$0x3FAD]  }
0x2a: {  	p0 =	seq.s32 s5, $0x0;
	s5 =	sld [smem:$0x3FAE]  }
0x2b: {  	s6 =	sld [smem:$0x3FAF]  }
0x2c: {  	s7 =	sld [smem:$0x3FB0]  }
0x2d: {  	s3 =	simm.s32 $0x108;
	s8 =	sld [smem:$0x3FB1]  }
0x2e: {  	s3 =	simm.s32 @!p0 $0x1082;
	s9 =	sld [smem:$0x3FB2]  }
0x2f: {  	lr =	sadd.s32 s0, s3;
	s0 =	sld [smem:$0x3FA9]  }
0x30: {  	s3 =	sld [smem:$0x3FAC]  }
0x31: {  	[smem:$0x3FB5] =	sst s10  }
0x32: {  	s10 =	sld [smem:$0x3FB3];
	_ =	sdelay $0x3  }
0x33: {  	p0 =	seq.s32 s10, $0x1;
	s10 =	sld [smem:$0x3FB5];
	_ =	sdelay $0x3  }
0x34: {  	[smem:$0x3FB5] =	sst s10  }
0x35: {  	s10 =	sld [smem:$0x3FB4];
	_ =	sdelay $0x3  }
0x36: {  	p1 =	seq.s32 s10, $0x1;
	s10 =	sld [smem:$0x3FB5];
	_ =	sdelay $0x3  }
0x37: {  	[smem:$0x3FB5] =	sst s10  }
0x38: {  	s10 =	sld [smem:$0x3FB6]  }
0x39: {  	_ = 	snop;
	(pc) =	sbr.ind lr, $3  }
0x3a: {  	_ = 	snop  }
0x3b: {  	_ = 	snop  }
0x3c: {  	p2 =	seq.s32 s10, $0x1;
	s10 =	sld [smem:$0x3FB5]  }
0x3d: {  	_ =	shalt  }
0x3e: {  	_ =	shalt  }
0x3f: {  	_ =	shalt  }
0x40: {  	_ =	shalt  }
0x41: {  	_ =	shalt  }
0x42: {  	_ =	shalt  }
0x43: {  	_ =	shalt  }
0x44: {  	_ =	shalt  }
0x45: {  	_ =	shalt  }
0x46: {  	_ =	shalt  }
0x47: {  	_ =	shalt  }
0x48: {  	_ =	shalt  }
0x49: {  	_ =	shalt  }
0x4a: {  	_ =	shalt  }
0x4b: {  	_ =	shalt  }
0x4c: {  	_ =	shalt  }
0x4d: {  	_ =	shalt  }
0x4e: {  	_ =	shalt  }
0x4f: {  	_ =	shalt  }
0x50: {  	_ =	shalt  }
0x51: {  	_ =	shalt  }
0x52: {  	_ =	shalt  }
0x53: {  	_ =	shalt  }
0x54: {  	_ =	shalt  }
0x55: {  	_ =	shalt  }
0x56: {  	_ =	shalt  }
0x57: {  	_ =	shalt  }
0x58: {  	_ =	shalt  }
0x59: {  	_ =	shalt  }
0x5a: {  	_ =	shalt  }
0x5b: {  	_ =	shalt  }
0x5c: {  	_ =	shalt  }
0x5d: {  	_ =	shalt  }
0x5e: {  	_ =	shalt  }
0x5f: {  	_ =	shalt  }
0x60: {  	_ =	shalt  }
0x61: {  	_ =	shalt  }
0x62: {  	_ =	shalt  }
0x63: {  	_ =	shalt  }
0x64: {  	_ =	shalt  }
0x65: {  	_ =	shalt  }
0x66: {  	_ =	shalt  }
0x67: {  	_ =	shalt  }
0x68: {  	_ =	shalt  }
0x69: {  	_ =	shalt  }
0x6a: {  	_ =	shalt  }
0x6b: {  	_ =	shalt  }
0x6c: {  	_ =	shalt  }
0x6d: {  	_ =	shalt  }
0x6e: {  	_ =	shalt  }
0x6f: {  	_ =	shalt  }
0x70: {  	_ =	shalt  }
0x71: {  	_ =	shalt  }
0x72: {  	_ =	shalt  }
0x73: {  	_ =	shalt  }
0x74: {  	_ =	shalt  }
0x75: {  	_ =	shalt  }
0x76: {  	_ =	shalt  }
0x77: {  	_ =	shalt  }
0x78: {  	_ =	shalt  }
0x79: {  	_ =	shalt  }
0x7a: {  	_ =	shalt  }
0x7b: {  	_ =	shalt  }
0x7c: {  	_ =	shalt  }
0x7d: {  	_ =	shalt  }
0x7e: {  	_ =	shalt  }
0x7f: {  	_ =	shalt  }
0x80: {  	_ =	shalt  }
0x81: {  	_ =	shalt  }
0x82: {  	_ =	shalt  }
0x83: {  	_ =	shalt  }
0x84: {  	_ =	shalt  }
0x85: {  	_ =	shalt  }
0x86: {  	_ =	shalt  }
0x87: {  	_ =	shalt  }
.Lfunc_end0:
.L_simem_size_0:
called_computation_lowered:
.L_overlay_start_0:
0x88: {  	s2 =	sld [smem:$0x3FD9]  }
0x89: {  	s3 =	sld [smem:$0x3FFE];
	_ =	sdelay $0x1  }
0x8a: {  	s1 =	srdreg.scid  }
0x8b: {  	s0 =	sand.u32 $0x1, s1  }
0x8c: {  	s17 =	sshll.u32 s0, $0xA;
	s2 =	sadd.s32 s3, s2  }
0x8d: {  	s2 =	sadd.s32 s2, s17  }
0x8e: {  	[smem:$0x3FC1] =	sst s2  }
0x8f: {  	_ = 	snop  }
0x90: {  	s2 =	sld [smem:$0x3FD0];
	(tm) =	ssettm $0x1  }
0x91: {  	s18 =	sld [smem:$0x3FFB];
	_ =	sdelay $0x3  }
0x92: {  	_ =	strace s18  }
0x93: {  	s3 =	sld [smem:$0x3FFC];
	_ =	sdelay $0x3  }
0x94: {  	_ =	strace s3  }
0x95: {  	s3 =	sld [smem:$0x3FFD];
	_ =	sdelay $0x3  }
0x96: {  	_ =	strace s3  }
0x97: {  	_ =	strace $0x8FFFFFFF  }
0x98: {  	s19 =	sld [smem:$0x3FDB];
	_ =	sdelay $0x1  }
0x99: {  	s4 =	simm.s32 $_scs_section_size  }
0x9a: {  	s5 =	simm.s32 $_size__tile_overlayer_lowered;
	s6 =	simm.s32 $_tile_overlayer_lowered  }
0x9b: {  	s22 =	simm.s32 $0x1BFF;
	s21 =	sshll.u32 s6, $0x1;
	s3 =	sadd.s32 s4, s19  }
0x9c: {  	s7 =	simm.s32 $0x0;
	s20 =	sshll.u32 s5, $0x1;
	s5 =	sadd.s32 s21, s3  }
0x9d: {  	[timem:s7], [sflag:s22] =	dma.local [hbm:s5], s20  }
0x9e: {  	_ =	swait.ge [sflag:s22], s20  }
0x9f: {  	s4 =	ssub.s32 $0x0, s20;
	[sflag:s22] =	ssyncset.done $0x0  }
0xa0: {  	[sflag:s22] =	ssyncadd.s32 s4;
	_ =	sdelay $0x1  }
0xa1: {  	s23 =	simm.s32 $0x1B8B  }
0xa2: {  	_ =	swait.ge [sflag:s23], $0x1  }
0xa3: {  	[sflag:s23] =	ssyncset.done $0x0  }
0xa4: {  	s25 =	simm.s32 $0x1B8E;
	s24 =	sld [smem:$0x3FFE];
	[sflag:s23] =	ssyncadd.s32 $0xFFFFFFFF  }
0xa5: {  	s26 =	simm.s32 $execute0_lowered;
	[smem:$0x3FD2] =	sst s25  }
0xa6: {  	s5 =	sshll.u32 s26, $0x1;
	_ =	strace $0x80000046;
	[dreg:$0x1] =	wrdreg $0xFFFFFFFF  }
0xa7: {  	s28 =	simm.s32 $_size_execute0_lowered;
	s3 =	sadd.s32 s3, s5;
	[dreg:$0x0] =	wrdreg $0x0  }
0xa8: {  	s5 =	sshll.u32 s28, $0x1;
	[dreg:$0x2] =	wrdreg s3  }
0xa9: {  	[dreg:$0x3] =	wrdreg s5  }
0xaa: {  	[dreg:$0x4] =	wrdreg $0xC0  }
0xab: {  	_ =	task [dreg:s7], $0x5FFFF  }
0xac: {  	[dreg:$0x1] =	wrdreg $0xFFFFFFFF  }
0xad: {  	[dreg:$0x0] =	wrdreg $0x60  }
0xae: {  	[dreg:$0x2] =	wrdreg s24  }
0xaf: {  	[dreg:$0x3] =	wrdreg s2  }
0xb0: {  	[dreg:$0x4] =	wrdreg $0xB7800  }
0xb1: {  	[dreg:$0x5] =	wrdreg $0x9  }
0xb2: {  	_ =	task.clear_ibuf [dreg:s7], $0x6FFFF;
	_ =	strace $0x90000046  }
0xb3: {  	s29 =	simm.s32 $0x9;
	_ =	strace $0x80000048  }
0xb4: {  	_ =	swait.ge [sflag:s29], $0x1  }
0xb5: {  	[sflag:s29] =	ssyncadd.s32 $0xFFFFFFFF  }
0xb6: {  	_ =	strace $0x90000048  }
0xb7: {  	_ =	sfence  }
0xb8: {  	s30 =	sld [smem:$0x0];
	_ =	sdelay $0x2  }
0xb9: {  	s31 =	sshll.u32 s1, $0xD;
	s1 =	sshrl.u32 s1, $0x2  }
0xba: {  	s3 =	sand.u32 $0x4000, s31;
	s1 =	sadd.s32 s1, s30  }
0xbb: {  	s0 =	sor.u32 s3, s0;
	s1 =	sshll.u32 s1, $0x11  }
0xbc: {  	s0 =	sor.u32 s1, s0  }
0xbd: {  	s0 =	sadd.s32 $0x8F2B, s0  }
0xbe: {  	[sflag:s0] =	ssyncadd.remote.s32 $0x1  }
0xbf: {  	_ =	sfence.sel $0xFFFF  }
0xc0: {  	[dreg:$0x0] =	wrdreg $0xFFFFFFFF;
	(pc) =	sbr.abs _section_cstart, $3  }
0xc1: {  	[dreg:$0x1] =	wrdreg $0xFFFFFFFF  }
0xc2: {  	_ =	task.clear_ibuf [dreg:s7], $0x2FFFF;
	_ =	strace $0x9FFFFFFF  }
0xc3: {  	(tm) =	ssettm $0x7FFFFFFF  }
tec
execute0_lowered:
.L_overlay_start_1:
0x0: {  	(tag) =	ssettag $0x1  }
0x1: {  	s7 =	rddreg [dreg:$0x0]  }
0x2: {  	s8 =	rddreg [dreg:$0x1]  }
0x3: {  	s1 =	srdreg.scid;
	s0 =	stileid.u32  }
0x4: {  	s2 =	rddreg [dreg:$0x2];
	s3 =	simm.s32 $0x0;
	s14 =	simm.s32 $0x50  }
0x5: {  	s15 =	simm.s32 $0x6780;
	s16 =	simm.s32 $0x8F80;
	s17 =	simm.s32 $0x1  }
0x6: {  	s18 =	simm.s32 $0x2;
	s19 =	simm.s32 $0x6480;
	s20 =	simm.s32 $0x26C0  }
0x7: {  	s21 =	simm.s32 $0x6500;
	s22 =	simm.s32 $0x6580;
	s23 =	simm.s32 $0x0  }
0x8: {  	s6 =	sand.u32 $0x1, s1;
	s4 =	sshll.u32 s0, $0x1;
	s1 =	rddreg [dreg:$0x3]  }
0x9: {  	[smem:$0x7FF] =	sst s3;
	s12 =	smul.u32 $0x278, s0;
	s31 =	sshll.u32 s0, $0x6  }
0xa: {  	s5 =	sor.u32 s6, s4;
	_ =	strace $0x80000047;
	s4 =	sadd.s32 $0x13E00, s7  }
0xb: {  	s10 =	ssub.s32 $0x2, s6;
	p0 =	seq.s32 s6, $0x1;
	s9 =	smul.u32 $0x4E2, s5  }
0xc: {  	s5 =	sshll.u32 s5, $0xB;
	s11 =	sshrl.u32 s10, $0x1;
	s29 =	smin.u32 s12, $0x2498  }
0xd: {  	s13 =	sadd.s32 s5, s7;
	s10 =	ssub.s32 s10, s11;
	s11 =	simm.s32 $0x2B5E00  }
0xe: {  	s12 =	sshll.u32 s29, $0x7;
	s9 =	sadd.s32 s9, s7;
	s6 =	sadd.s32 $0x3E00, s13  }
0xf: {  	s11 =	simm.s32 @!p0 $0x28EC00;
	s30 =	sadd.s32 s12, s2;
	s12 =	sor.u32 $0x1C03, s31  }
0x10: {  	s5 =	sadd.s32 $0x284E00, s9;
	s9 =	sshll.u32 s29, $0x4;
	s11 =	sadd.s32 s11, s7  }
0x11: {  	s13 =	sshrl.u32 s30, $0x3;
	s7 =	sadd.s32 s8, s9;
	s8 =	smax.u32 s10, $0x1  }
0x12: {  	s9 =	sadd.s32 s11, s9;
	s10 =	simm.s32 $0x3;
	s11 =	simm.s32 $0x2780  }
.LBB2_1:
0x13: {  	[tilespmem:s3], [sflag:$0x3] =	stream.linear.gather [hbm4b:s5+s3], $0x2710, $0x38;
	[tilespmem:$0x1F000] =	vst v63  }
0x14: {  	_ =	swait.ge [sflag:s10], $0x2710  }
0x15: {  	[sflag:s10] =	ssyncset.done $0x0  }
0x16: {  	[sflag:s10] =	ssyncadd.s32 $0xFFFFD8F0  }
0x17: {  	[tilespmem:s11], [sflag:$0x3] =	stream.linear.gather [hbm4b:s6+s3], $0x3E80, $0x38;
	[tilespmem:$0x1F000] =	vst v63  }
0x18: {  	_ =	swait.ge [sflag:s10], $0x3E80  }
0x19: {  	[sflag:s10] =	ssyncset.done $0x0  }
0x1a: {  	[sflag:s10] =	ssyncadd.s32 $0xFFFFC180  }
0x1b: {  	[spmem:s13], [sflag:s12] =	dma.local [hbm:s7], $0x2780  }
0x1c: {  	_ =	swait.ge [sflag:s10], $0x2780  }
0x1d: {  	[sflag:s10] =	ssyncset.done $0x0  }
0x1e: {  	[sflag:s10] =	ssyncadd.s32 $0xFFFFD880  }
0x1f: {  	[bflag:$0x0] =	sbarrier.arrive $0xFFFF  }
0x20: {  	[tilespmem:s15], [sflag:$0x1] =	stream.indirect.gather [hbm4b:s4+s14], $0x80, s3, s14, $0xb8;
	[tilespmem:$0x1F000] =	vst v63  }
0x21: {  	_ = 	snop  }
0x22: {  	[tilespmem:s16], [sflag:$0x2] =	stream.indirect.gather [hbm4b:s4+s14], $0x80, s14, s14, $0xb8;
	[tilespmem:$0x1F000] =	vst v63  }
0x23: {  	_ =	swait.ge [sflag:s17], $0x2800  }
0x24: {  	[sflag:s17] =	ssyncset.done $0x0  }
0x25: {  	s24 =	simm.s32 $0x2780;
	[sflag:s17] =	ssyncadd.s32 $0xFFFFD800  }
0x26: {  	[spmem:s2] =	stream.indirect.scatter.add.f32 [tilespmem:s15], [sflag:$0x3], $0x80, s24, s14, $0xb8;
	[tilespmem:$0x1F000] =	vst v63  }
0x27: {  	_ =	swait.ge [sflag:s10], $0x2800  }
0x28: {  	[sflag:s10] =	ssyncset.done $0x0  }
0x29: {  	s30 =	simm.s32 $0xA0;
	[sflag:s10] =	ssyncadd.s32 $0xFFFFD800  }
0x2a: {  	[tilespmem:s15], [sflag:$0x1] =	stream.indirect.gather [hbm4b:s4+s14], $0x80, s30, s14, $0xb8;
	[tilespmem:$0x1F000] =	vst v63  }
0x2b: {  	_ =	swait.ge [sflag:s18], $0x2800  }
0x2c: {  	[sflag:s18] =	ssyncset.done $0x0  }
0x2d: {  	s31 =	simm.s32 $0x2800;
	[sflag:s18] =	ssyncadd.s32 $0xFFFFD800  }
0x2e: {  	[spmem:s2] =	stream.indirect.scatter.add.f32 [tilespmem:s16], [sflag:$0x3], $0x80, s31, s14, $0xb8;
	[tilespmem:$0x1F000] =	vst v63  }
0x2f: {  	_ =	swait.ge [sflag:s10], $0x2800  }
0x30: {  	s25 =	simm.s32 $0x400;
	[sflag:s10] =	ssyncset.done $0x0  }
0x31: {  	s26 =	simm.s32 $0x190;
	s24 =	simm.s32 $0xF0;
	[sflag:s10] =	ssyncadd.s32 $0xFFFFD800  }
.LBB2_2:
0x32: {  	[tilespmem:s16], [sflag:$0x2] =	stream.indirect.gather [hbm4b:s4+s14], $0x80, s24, s14, $0xb8;
	[tilespmem:$0x1F000] =	vst v63  }
0x33: {  	s28 =	smov.u32 s25;
	s24 =	smov.u32 s26  }
0x34: {  	p0 =	sne.s32 s25, $0xF000;
	s25 =	sadd.s32 $0x400, s25;
	_ =	swait.ge [sflag:s17], $0x2800  }
0x35: {  	s28 =	sshra.s32 s28, $0x2;
	[sflag:s17] =	ssyncset.done $0x0  }
0x36: {  	s29 =	sadd.s32 $0x2780, s28;
	[sflag:s17] =	ssyncadd.s32 $0xFFFFD800  }
0x37: {  	[spmem:s2] =	stream.indirect.scatter.add.f32 [tilespmem:s15], [sflag:$0x3], $0x80, s29, s14, $0xb8;
	[tilespmem:$0x1F000] =	vst v63  }
0x38: {  	_ =	swait.ge [sflag:s10], $0x2800  }
0x39: {  	[sflag:s10] =	ssyncset.done $0x0  }
0x3a: {  	s29 =	sadd.s32 $0xFFFFFFB0, s26;
	[sflag:s10] =	ssyncadd.s32 $0xFFFFD800  }
0x3b: {  	[tilespmem:s15], [sflag:$0x1] =	stream.indirect.gather [hbm4b:s4+s14], $0x80, s29, s14, $0xb8;
	[tilespmem:$0x1F000] =	vst v63  }
0x3c: {  	_ =	swait.ge [sflag:s18], $0x2800  }
0x3d: {  	[sflag:s18] =	ssyncset.done $0x0  }
.Ltmp0:
0x3e: {  	s28 =	sadd.s32 $0x2800, s28;
	[sflag:s18] =	ssyncadd.s32 $0xFFFFD800;
	(pc) =	sbr.rel @p0 .LBB2_2-.Ltmp0, $4  }
0x3f: {  	[spmem:s2] =	stream.indirect.scatter.add.f32 [tilespmem:s16], [sflag:$0x3], $0x80, s28, s14, $0xb8;
	[tilespmem:$0x1F000] =	vst v63  }
0x40: {  	_ =	swait.ge [sflag:s10], $0x2800  }
0x41: {  	[sflag:s10] =	ssyncset.done $0x0  }
0x42: {  	s26 =	sadd.s32 $0xA0, s26;
	[sflag:s10] =	ssyncadd.s32 $0xFFFFD800  }
0x43: {  	[tilespmem:s16], [sflag:$0x2] =	stream.indirect.gather [hbm4b:s4+s14], $0x80, s24, s14, $0xb8;
	[tilespmem:$0x1F000] =	vst v63  }
0x44: {  	_ =	swait.ge [sflag:s17], $0x2800  }
0x45: {  	[sflag:s17] =	ssyncset.done $0x0  }
0x46: {  	[sflag:s17] =	ssyncadd.s32 $0xFFFFD800  }
0x47: {  	[spmem:s2] =	stream.indirect.scatter.add.f32 [tilespmem:s15], [sflag:$0x3], $0x80, s19, s14, $0xb8;
	[tilespmem:$0x1F000] =	vst v63  }
0x48: {  	_ =	swait.ge [sflag:s10], $0x2800  }
0x49: {  	[sflag:s10] =	ssyncset.done $0x0  }
0x4a: {  	[sflag:s10] =	ssyncadd.s32 $0xFFFFD800  }
0x4b: {  	[tilespmem:s15], [sflag:$0x1] =	stream.indirect.gather [hbm4b:s4+s14], $0x80, s20, s14, $0xb8;
	[tilespmem:$0x1F000] =	vst v63  }
0x4c: {  	_ =	swait.ge [sflag:s18], $0x2800  }
0x4d: {  	[sflag:s18] =	ssyncset.done $0x0  }
0x4e: {  	[sflag:s18] =	ssyncadd.s32 $0xFFFFD800  }
0x4f: {  	[spmem:s2] =	stream.indirect.scatter.add.f32 [tilespmem:s16], [sflag:$0x3], $0x80, s21, s14, $0xb8;
	[tilespmem:$0x1F000] =	vst v63  }
0x50: {  	_ =	swait.ge [sflag:s10], $0x2800  }
0x51: {  	[sflag:s10] =	ssyncset.done $0x0  }
0x52: {  	[sflag:s10] =	ssyncadd.s32 $0xFFFFD800  }
0x53: {  	_ =	swait.ge [sflag:s17], $0x2800  }
0x54: {  	[sflag:s17] =	ssyncset.done $0x0  }
0x55: {  	[sflag:s17] =	ssyncadd.s32 $0xFFFFD800  }
0x56: {  	[spmem:s2] =	stream.indirect.scatter.add.f32 [tilespmem:s15], [sflag:$0x3], $0x80, s22, s14, $0xb8;
	[tilespmem:$0x1F000] =	vst v63  }
0x57: {  	_ =	swait.ge [sflag:s10], $0x2800  }
0x58: {  	s23 =	sadd.s32 $0x1, s23;
	[sflag:s10] =	ssyncset.done $0x0  }
0x59: {  	p0 =	sne.s32 s23, s8;
	[sflag:s10] =	ssyncadd.s32 $0xFFFFD800  }
.Ltmp1:
0x5a: {  	[bflag:$0x0] =	sbarrier.arrive $0xFFFF;
	(pc) =	sbr.rel @p0 .LBB2_1-.Ltmp1, $4  }
0x5b: {  	[hbm:s9], [sflag:s12] =	dma.local [spmem:s13], $0x2780  }
0x5c: {  	_ =	swait.ge [sflag:s10], $0x2780  }
0x5d: {  	[sflag:s10] =	ssyncset.done $0x0  }
0x5e: {  	[sflag:s10] =	ssyncadd.s32 $0xFFFFD880  }
0x5f: {  	_ =	sfence.sel $0x180000  }
0x60: {  	[bflag:$0x0] =	sbarrier.arrive $0xFFFF  }
0x61: {  	p0 =	sne.s32 s0, $0x0;
	_ =	strace $0x90000047  }
0x62: {  	s0 =	sadd.s32 @!p0 $0x100000, s1;
	[bflag:$0x2] =	sbarrier.arrive $0xFFFF  }
0x63: {  	[sflag:s0] =	ssyncadd.tile.s32 @!p0 $0x1;
	_ =	shalt  }
.Lfunc_end2:
_tile_overlayer_lowered:
.L_overlay_start_2:
0x64: {  	(tag) =	ssettag $0x2  }
0x65: {  	s0 =	rddreg [dreg:$0x0];
	s2 =	stileid.u32  }
0x66: {  	s1 =	rddreg [dreg:$0x1];
	p0 =	sne.s32 s2, $0x0  }
0x67: {  	s3 =	rddreg [dreg:$0x2];
	[bflag:$0x3] =	sbarrier.arrive $0xFFFF;
	s2 =	simm.s32 @!p0 $0x1C03  }
0x68: {  	[timem:s3], [sflag:s2] =	dma.local @!p0 [hbm:s0], s1  }
0x69: {  	s0 =	simm.s32 @!p0 $0x3  }
0x6a: {  	_ =	swait.ge @!p0 [sflag:s0], s1  }
0x6b: {  	s1 =	ssub.s32 @!p0 $0x0, s1;
	[sflag:s0] =	ssyncset.done @!p0 $0x0  }
0x6c: {  	[sflag:s0] =	ssyncadd.s32 @!p0 s1  }
0x6d: {  	[bflag:$0x3] =	sbarrier.arrive $0xFFFF  }
0x6e: {  	_ =	shalt  }

</sc_bundles>
